<compile_context>
chip_gen: v7x
topology: tpu7x:2x2x1
jax: 0.10.2.dev20260603
libtpu: 0.0.44.dev20260713+nightly
codegen_flags: <defaults>
</compile_context>

<pallas_src>
import functools

import jax
import jax.numpy as jnp
from jax import lax
from jax.experimental import pallas as pl
from jax.experimental.pallas import tpu as pltpu
from jax.experimental.pallas import tpu_sc as plsc

HID = 256
HALF = 128
N_NODES = 10000
N_EDGES = 160000

NC = 2
NS = 16
C = 80
EPW = N_EDGES // NS
NCHUNK = EPW // C
WBR = 40
NWBC = N_NODES // WBR
LANES = 16


def _sc_agg(node2, src3, dst3, edge2):
    mesh = plsc.VectorSubcoreMesh(core_axis_name="c", subcore_axis_name="s")

    @functools.partial(
        pl.kernel,
        mesh=mesh,
        out_type=jax.ShapeDtypeStruct((NC, N_NODES, HALF), jnp.float32),
        scratch_types=[
            pltpu.VMEM((4, C), jnp.int32),
            pltpu.VMEM((4, C), jnp.int32),
            pltpu.VMEM((4, C), jnp.int32),
            pltpu.VMEM((C, HALF), jnp.float32),
            pltpu.VMEM((C, HALF), jnp.float32),
            pltpu.VMEM((C, HALF), jnp.float32),
            pltpu.VMEM((C, HALF), jnp.float32),
            pltpu.VMEM((WBR, HALF), jnp.float32),
            pltpu.VMEM_SHARED((N_NODES, HALF), jnp.float32),
            pltpu.SemaphoreType.DMA,
            pltpu.SemaphoreType.DMA,
            pltpu.SemaphoreType.DMA,
            pltpu.SemaphoreType.DMA,
            pltpu.SemaphoreType.DMA,
            pltpu.SemaphoreType.DMA,
            pltpu.SemaphoreType.DMA,
            pltpu.SemaphoreType.DMA,
        ],
    )
    def k(node_hbm, src_hbm, dst_hbm, edge_hbm, out_hbm,
          sidx, didx, eidx, nrows0, nrows1, erows0, erows1, obuf, acc,
          semn0, semn1, seme0, seme1, semi0, semi1, semi2, semi3):
        c = lax.axis_index("c")
        s = lax.axis_index("s")
        nbuf = (nrows0, nrows1)
        ebuf = (erows0, erows1)
        semn = (semn0, semn1)
        seme = (seme0, seme1)
        semi = (semi0, semi1, semi2, semi3)

        def idx_load(i, q):
            pltpu.async_copy(src_hbm.at[s, i], sidx.at[q], semi[q])
            pltpu.async_copy(dst_hbm.at[s, i], didx.at[q], semi[q])

        def idx_wait(q):
            pltpu.make_async_copy(src_hbm.at[s, 0], sidx.at[q],
                                  semi[q]).wait()
            pltpu.make_async_copy(dst_hbm.at[s, 0], didx.at[q],
                                  semi[q]).wait()

        def remap(i, q):
            def rbody(j, carry):
                v = sidx[q, pl.ds(j * LANES, LANES)]
                sidx[q, pl.ds(j * LANES, LANES)] = v + v + c
                lane = lax.iota(jnp.int32, LANES) + (s * EPW + i * C
                                                     + j * LANES)
                eidx[q, pl.ds(j * LANES, LANES)] = lane + lane + c
                return carry
            lax.fori_loop(0, C // LANES, rbody, 0)

        def start(q, b):
            pltpu.async_copy(node_hbm.at[sidx.at[q]], nbuf[b], semn[b])
            pltpu.async_copy(edge_hbm.at[eidx.at[q]], ebuf[b], seme[b])

        def drain(b):
            pltpu.make_async_copy(node_hbm.at[pl.ds(0, C)], nbuf[b],
                                  semn[b]).wait()
            pltpu.make_async_copy(edge_hbm.at[pl.ds(0, C)], ebuf[b],
                                  seme[b]).wait()

        def scat(q, b):
            pltpu.sync_copy(nbuf[b], acc.at[didx.at[q]], add=True)
            pltpu.sync_copy(ebuf[b], acc.at[didx.at[q]], add=True)

        idx_load(0, 0)
        idx_wait(0)
        remap(0, 0)
        start(0, 0)
        idx_load(1, 1)

        def zfill(i, carry):
            r = i // (HALF // LANES)
            j = i - r * (HALF // LANES)
            obuf[r, pl.ds(j * LANES, LANES)] = jnp.zeros((LANES,), jnp.float32)
            return carry
        lax.fori_loop(0, WBR * (HALF // LANES), zfill, 0)

        def zcopy(t, carry):
            ch = t * NS + s

            @pl.when(ch < NWBC)
            def _():
                pltpu.sync_copy(obuf, acc.at[pl.ds(ch * WBR, WBR)])
            return carry
        lax.fori_loop(0, (NWBC + NS - 1) // NS, zcopy, 0)
        plsc.subcore_barrier()

        def body(a, q):
            q1 = (q + 1) % 4
            q2 = (q + 2) % 4
            idx_wait(q1)
            remap(a + 1, q1)
            start(q1, (q + 1) % 2)

            @pl.when(a + 2 < NCHUNK)
            def _():
                idx_load(a + 2, q2)
            drain(q % 2)
            scat(q, q % 2)

        def step(t, carry):
            a0 = t * 4
            for u in range(4):
                body(a0 + u, u)
            return carry
        lax.fori_loop(0, (NCHUNK - 1) // 4, step, 0)
        drain(0)
        scat(0, 0)
        plsc.subcore_barrier()

        def wb(t, carry):
            ch = t * NS + s

            @pl.when(ch < NWBC)
            def _():
                r0 = ch * WBR
                pltpu.sync_copy(acc.at[pl.ds(r0, WBR)], obuf)
                pltpu.sync_copy(obuf, out_hbm.at[c, pl.ds(r0, WBR)])
            return carry
        lax.fori_loop(0, (NWBC + NS - 1) // NS, wb, 0)

    return k(node2, src3, dst3, edge2)


BM = 1000


def _ln_blk(y, g, b):
    m = jnp.mean(y, axis=-1, keepdims=True)
    v = jnp.mean((y - m) * (y - m), axis=-1, keepdims=True)
    return (y - m) * lax.rsqrt(v + 1e-5) * g + b


def _tc_body(a0, a1, w0, w1, nh, b, gg, gb, ng, nb, o):
    dn = (((1,), (1,)), ((), ()))
    y = lax.dot_general(a0[0], w0[...], dn, preferred_element_type=jnp.float32)
    y = y + lax.dot_general(a1[0], w1[...], dn,
                            preferred_element_type=jnp.float32)
    y = jnp.maximum(y + b[...], 0.0)
    y = _ln_blk(y, gg[...], gb[...])
    y = y + nh[...]
    o[...] = _ln_blk(y, ng[...], nb[...])


def _tc_post(agg, node_h, W, b, gg, gb, ng, nb):
    vec = pl.BlockSpec((1, HID), lambda i: (0, 0))
    return pl.pallas_call(
        _tc_body,
        grid=(N_NODES // BM,),
        in_specs=[
            pl.BlockSpec((1, BM, HALF), lambda i: (0, i, 0)),
            pl.BlockSpec((1, BM, HALF), lambda i: (1, i, 0)),
            pl.BlockSpec((HID, HALF), lambda i: (0, 0)),
            pl.BlockSpec((HID, HALF), lambda i: (0, 1)),
            pl.BlockSpec((BM, HID), lambda i: (i, 0)),
            vec, vec, vec, vec, vec,
        ],
        out_specs=pl.BlockSpec((BM, HID), lambda i: (i, 0)),
        out_shape=jax.ShapeDtypeStruct((N_NODES, HID), jnp.float32),
    )(agg, agg, W, W, node_h, b, gg, gb, ng, nb)


def kernel(node_h, edge_index, edge_h, W, b, gn_gamma, gn_beta, n_gamma,
           n_beta):
    src3 = edge_index[0].astype(jnp.int32).reshape(NS, NCHUNK, C)
    dst3 = edge_index[1].astype(jnp.int32).reshape(NS, NCHUNK, C)
    node2 = node_h.reshape(2 * N_NODES, HALF)
    edge2 = edge_h.reshape(2 * N_EDGES, HALF)
    agg = _sc_agg(node2, src3, dst3, edge2)
    r = lambda x: x.reshape(1, HID)
    return _tc_post(agg, node_h, W, r(b), r(gn_gamma), r(gn_beta),
                    r(n_gamma), r(n_beta))

# --- scband reference (transcript-rebuilt; emitter-appended) ---
"""Pipeline reference for scband-gnnlayer-87694642249941 (READ-ONLY COPY).

The authoritative reference and input builder live on the scoring server;
editing this copy changes nothing except your own understanding.
"""

import jax, jax.numpy as jnp
import numpy as np

HIDDEN = 256
N_NODES = 10000
N_EDGES = 160000


def _layer_norm(x, gamma, beta, eps=1e-5):
    mean = jnp.mean(x, axis=-1, keepdims=True)
    var = jnp.var(x, axis=-1, keepdims=True)
    return (x - mean) / jnp.sqrt(var + eps) * gamma + beta


def setup_inputs(seed: int = 0) -> dict:
    key = jax.random.key(seed)
    k1, k2, k3, k4, k5 = jax.random.split(key, 5)
    node_h = jax.random.normal(k1, (N_NODES, HIDDEN), dtype=jnp.float32)
    edge_index = jax.random.randint(k2, (2, N_EDGES), 0, N_NODES, dtype=jnp.int64)
    edge_h = jax.random.normal(k3, (N_EDGES, HIDDEN), dtype=jnp.float32)
    # Linear params (torch default init: U(-1/sqrt(fan_in), 1/sqrt(fan_in)))
    bound = 1.0 / np.sqrt(HIDDEN)
    W = jax.random.uniform(k4, (HIDDEN, HIDDEN), dtype=jnp.float32, minval=-bound, maxval=bound)
    b = jax.random.uniform(k5, (HIDDEN,), dtype=jnp.float32, minval=-bound, maxval=bound)
    gn_gamma = jnp.ones((HIDDEN,), dtype=jnp.float32)
    gn_beta = jnp.zeros((HIDDEN,), dtype=jnp.float32)
    n_gamma = jnp.ones((HIDDEN,), dtype=jnp.float32)
    n_beta = jnp.zeros((HIDDEN,), dtype=jnp.float32)
    return {
        "node_h": node_h,
        "edge_index": edge_index,
        "edge_h": edge_h,
        "W": W,
        "b": b,
        "gn_gamma": gn_gamma,
        "gn_beta": gn_beta,
        "n_gamma": n_gamma,
        "n_beta": n_beta,
    }


def reference(node_h, edge_index, edge_h, W, b, gn_gamma, gn_beta, n_gamma, n_beta):
    src = edge_index[0]
    dst = edge_index[1]
    # gather source node features, add edge features
    messages = jnp.take(node_h, src, axis=0) + edge_h
    # scatter-add aggregation into destination nodes
    agg = jnp.zeros_like(node_h).at[dst].add(messages)
    # linear
    out = agg @ W.T + b
    # relu (dropout is identity in eval / deterministic reference)
    out = jax.nn.relu(out)
    # graph layer norm
    out = _layer_norm(out, gn_gamma, gn_beta)
    # residual
    out = out + node_h
    # final layer norm
    return _layer_norm(out, n_gamma, n_beta)

if __name__ == "__main__":
    import jax
    _d = setup_inputs()
    print(jax.jit(kernel)(*tuple(_d.values())))

</pallas_src>

<mosaic_0001>
#map = affine_map<(d0, d1) -> (0, 0)>
#map1 = affine_map<(d0, d1) -> (0, 0, 0)>
module attributes {stable_mosaic.version = 14 : i64} {
  func.func @k(%arg0: i32, %arg1: i32, %arg2: memref<20000x128xf32, #tpu.memory_space<hbm>>, %arg3: memref<16x125x80xi32, #tpu.memory_space<hbm>>, %arg4: memref<16x125x80xi32, #tpu.memory_space<hbm>>, %arg5: memref<320000x128xf32, #tpu.memory_space<hbm>>, %arg6: memref<2x10000x128xf32, #tpu.memory_space<hbm>>, %arg7: memref<4x80xi32, #tpu.memory_space<vmem>>, %arg8: memref<4x80xi32, #tpu.memory_space<vmem>>, %arg9: memref<4x80xi32, #tpu.memory_space<vmem>>, %arg10: memref<80x128xf32, #tpu.memory_space<vmem>>, %arg11: memref<80x128xf32, #tpu.memory_space<vmem>>, %arg12: memref<80x128xf32, #tpu.memory_space<vmem>>, %arg13: memref<80x128xf32, #tpu.memory_space<vmem>>, %arg14: memref<40x128xf32, #tpu.memory_space<vmem>>, %arg15: memref<10000x128xf32, #tpu.memory_space<vmem_shared>>, %arg16: memref<!tpu.dma_semaphore, #tpu.memory_space<semaphore_mem>>, %arg17: memref<!tpu.dma_semaphore, #tpu.memory_space<semaphore_mem>>, %arg18: memref<!tpu.dma_semaphore, #tpu.memory_space<semaphore_mem>>, %arg19: memref<!tpu.dma_semaphore, #tpu.memory_space<semaphore_mem>>, %arg20: memref<!tpu.dma_semaphore, #tpu.memory_space<semaphore_mem>>, %arg21: memref<!tpu.dma_semaphore, #tpu.memory_space<semaphore_mem>>, %arg22: memref<!tpu.dma_semaphore, #tpu.memory_space<semaphore_mem>>, %arg23: memref<!tpu.dma_semaphore, #tpu.memory_space<semaphore_mem>>) attributes {dimension_semantics = [#tpu.dimension_semantics<core_parallel>, #tpu.dimension_semantics<subcore_parallel>], iteration_bounds = array<i64: 2, 16>, scalar_prefetch = 0 : i64, scratch_operands = 17 : i64, tpu.core_type = #tpu.core_type<sc_vector_subcore>, window_params = [{transform_indices = #map}, {transform_indices = #map1}, {transform_indices = #map1}, {transform_indices = #map}, {transform_indices = #map1}]} {
    %dma_start3A = arith.constant 0 : i32
    %dma_start3A_0 = arith.constant 0 : i32
    %dma_start3A_1 = arith.constant 0 : i32
    %dma_start3A_2 = tpu.memref_slice %arg7[%dma_start3A_0, %dma_start3A_1] : memref<4x80xi32, #tpu.memory_space<vmem>> -> memref<1x80xi32, #tpu.memory_space<vmem>>
    %dma_start3A_3 = tpu.memref_squeeze %dma_start3A_2 : memref<1x80xi32, #tpu.memory_space<vmem>> -> memref<80xi32, #tpu.memory_space<vmem>>
    %dma_start3A_4 = arith.constant 0 : i32
    %dma_start3A_5 = tpu.memref_slice %arg3[%arg1, %dma_start3A, %dma_start3A_4] : memref<16x125x80xi32, #tpu.memory_space<hbm>> -> memref<1x1x80xi32, #tpu.memory_space<hbm>>
    %dma_start3A_6 = tpu.memref_squeeze %dma_start3A_5 : memref<1x1x80xi32, #tpu.memory_space<hbm>> -> memref<80xi32, #tpu.memory_space<hbm>>
    %dma_start3A_7 = arith.constant 0 : i32
    %dma_start3A_8 = tpu.memref_slice %arg7[%dma_start3A_0, %dma_start3A_7] : memref<4x80xi32, #tpu.memory_space<vmem>> -> memref<1x80xi32, #tpu.memory_space<vmem>>
    %dma_start3A_9 = tpu.memref_squeeze %dma_start3A_8 : memref<1x80xi32, #tpu.memory_space<vmem>> -> memref<80xi32, #tpu.memory_space<vmem>>
    %dma_start3A_10 = arith.constant 0 : i32
    %dma_start3A_11 = tpu.memref_slice %arg3[%arg1, %dma_start3A, %dma_start3A_10] : memref<16x125x80xi32, #tpu.memory_space<hbm>> -> memref<1x1x80xi32, #tpu.memory_space<hbm>>
    %dma_start3A_12 = tpu.memref_squeeze %dma_start3A_11 : memref<1x1x80xi32, #tpu.memory_space<hbm>> -> memref<80xi32, #tpu.memory_space<hbm>>
    tpu.enqueue_dma source(%dma_start3A_12 : memref<80xi32, #tpu.memory_space<hbm>>) target(%dma_start3A_9 : memref<80xi32, #tpu.memory_space<vmem>>) target_semaphore(%arg20 : memref<!tpu.dma_semaphore, #tpu.memory_space<semaphore_mem>>)
    %dma_start3A_13 = arith.constant 0 : i32
    %dma_start3A_14 = arith.constant 0 : i32
    %dma_start3A_15 = arith.constant 0 : i32
    %dma_start3A_16 = tpu.memref_slice %arg8[%dma_start3A_14, %dma_start3A_15] : memref<4x80xi32, #tpu.memory_space<vmem>> -> memref<1x80xi32, #tpu.memory_space<vmem>>
    %dma_start3A_17 = tpu.memref_squeeze %dma_start3A_16 : memref<1x80xi32, #tpu.memory_space<vmem>> -> memref<80xi32, #tpu.memory_space<vmem>>
    %dma_start3A_18 = arith.constant 0 : i32
    %dma_start3A_19 = tpu.memref_slice %arg4[%arg1, %dma_start3A_13, %dma_start3A_18] : memref<16x125x80xi32, #tpu.memory_space<hbm>> -> memref<1x1x80xi32, #tpu.memory_space<hbm>>
    %dma_start3A_20 = tpu.memref_squeeze %dma_start3A_19 : memref<1x1x80xi32, #tpu.memory_space<hbm>> -> memref<80xi32, #tpu.memory_space<hbm>>
    %dma_start3A_21 = arith.constant 0 : i32
    %dma_start3A_22 = tpu.memref_slice %arg8[%dma_start3A_14, %dma_start3A_21] : memref<4x80xi32, #tpu.memory_space<vmem>> -> memref<1x80xi32, #tpu.memory_space<vmem>>
    %dma_start3A_23 = tpu.memref_squeeze %dma_start3A_22 : memref<1x80xi32, #tpu.memory_space<vmem>> -> memref<80xi32, #tpu.memory_space<vmem>>
    %dma_start3A_24 = arith.constant 0 : i32
    %dma_start3A_25 = tpu.memref_slice %arg4[%arg1, %dma_start3A_13, %dma_start3A_24] : memref<16x125x80xi32, #tpu.memory_space<hbm>> -> memref<1x1x80xi32, #tpu.memory_space<hbm>>
    %dma_start3A_26 = tpu.memref_squeeze %dma_start3A_25 : memref<1x1x80xi32, #tpu.memory_space<hbm>> -> memref<80xi32, #tpu.memory_space<hbm>>
    tpu.enqueue_dma source(%dma_start3A_26 : memref<80xi32, #tpu.memory_space<hbm>>) target(%dma_start3A_23 : memref<80xi32, #tpu.memory_space<vmem>>) target_semaphore(%arg20 : memref<!tpu.dma_semaphore, #tpu.memory_space<semaphore_mem>>)
    %dma_wait3A = arith.constant 0 : i32
    %dma_wait3A_27 = arith.constant 0 : i32
    %dma_wait3A_28 = arith.constant 0 : i32
    %dma_wait3A_29 = tpu.memref_slice %arg7[%dma_wait3A_27, %dma_wait3A_28] : memref<4x80xi32, #tpu.memory_space<vmem>> -> memref<1x80xi32, #tpu.memory_space<vmem>>
    %dma_wait3A_30 = tpu.memref_squeeze %dma_wait3A_29 : memref<1x80xi32, #tpu.memory_space<vmem>> -> memref<80xi32, #tpu.memory_space<vmem>>
    %dma_wait3A_31 = arith.constant 0 : i32
    %dma_wait3A_32 = tpu.memref_slice %arg3[%arg1, %dma_wait3A, %dma_wait3A_31] : memref<16x125x80xi32, #tpu.memory_space<hbm>> -> memref<1x1x80xi32, #tpu.memory_space<hbm>>
    %dma_wait3A_33 = tpu.memref_squeeze %dma_wait3A_32 : memref<1x1x80xi32, #tpu.memory_space<hbm>> -> memref<80xi32, #tpu.memory_space<hbm>>
    %dma_wait3A_34 = arith.constant 0 : i32
    %dma_wait3A_35 = tpu.memref_slice %arg7[%dma_wait3A_27, %dma_wait3A_34] : memref<4x80xi32, #tpu.memory_space<vmem>> -> memref<1x80xi32, #tpu.memory_space<vmem>>
    %dma_wait3A_36 = tpu.memref_squeeze %dma_wait3A_35 : memref<1x80xi32, #tpu.memory_space<vmem>> -> memref<80xi32, #tpu.memory_space<vmem>>
    %dma_wait3A_37 = arith.constant 0 : i32
    %dma_wait3A_38 = tpu.memref_slice %arg3[%arg1, %dma_wait3A, %dma_wait3A_37] : memref<16x125x80xi32, #tpu.memory_space<hbm>> -> memref<1x1x80xi32, #tpu.memory_space<hbm>>
    %dma_wait3A_39 = tpu.memref_squeeze %dma_wait3A_38 : memref<1x1x80xi32, #tpu.memory_space<hbm>> -> memref<80xi32, #tpu.memory_space<hbm>>
    tpu.wait_dma2 semaphore(%arg20 : memref<!tpu.dma_semaphore, #tpu.memory_space<semaphore_mem>>) src(%dma_wait3A_39 : memref<80xi32, #tpu.memory_space<hbm>>) dst(%dma_wait3A_36 : memref<80xi32, #tpu.memory_space<vmem>>)
    %dma_wait3A_40 = arith.constant 0 : i32
    %dma_wait3A_41 = arith.constant 0 : i32
    %dma_wait3A_42 = arith.constant 0 : i32
    %dma_wait3A_43 = tpu.memref_slice %arg8[%dma_wait3A_41, %dma_wait3A_42] : memref<4x80xi32, #tpu.memory_space<vmem>> -> memref<1x80xi32, #tpu.memory_space<vmem>>
    %dma_wait3A_44 = tpu.memref_squeeze %dma_wait3A_43 : memref<1x80xi32, #tpu.memory_space<vmem>> -> memref<80xi32, #tpu.memory_space<vmem>>
    %dma_wait3A_45 = arith.constant 0 : i32
    %dma_wait3A_46 = tpu.memref_slice %arg4[%arg1, %dma_wait3A_40, %dma_wait3A_45] : memref<16x125x80xi32, #tpu.memory_space<hbm>> -> memref<1x1x80xi32, #tpu.memory_space<hbm>>
    %dma_wait3A_47 = tpu.memref_squeeze %dma_wait3A_46 : memref<1x1x80xi32, #tpu.memory_space<hbm>> -> memref<80xi32, #tpu.memory_space<hbm>>
    %dma_wait3A_48 = arith.constant 0 : i32
    %dma_wait3A_49 = tpu.memref_slice %arg8[%dma_wait3A_41, %dma_wait3A_48] : memref<4x80xi32, #tpu.memory_space<vmem>> -> memref<1x80xi32, #tpu.memory_space<vmem>>
    %dma_wait3A_50 = tpu.memref_squeeze %dma_wait3A_49 : memref<1x80xi32, #tpu.memory_space<vmem>> -> memref<80xi32, #tpu.memory_space<vmem>>
    %dma_wait3A_51 = arith.constant 0 : i32
    %dma_wait3A_52 = tpu.memref_slice %arg4[%arg1, %dma_wait3A_40, %dma_wait3A_51] : memref<16x125x80xi32, #tpu.memory_space<hbm>> -> memref<1x1x80xi32, #tpu.memory_space<hbm>>
    %dma_wait3A_53 = tpu.memref_squeeze %dma_wait3A_52 : memref<1x1x80xi32, #tpu.memory_space<hbm>> -> memref<80xi32, #tpu.memory_space<hbm>>
    tpu.wait_dma2 semaphore(%arg20 : memref<!tpu.dma_semaphore, #tpu.memory_space<semaphore_mem>>) src(%dma_wait3A_53 : memref<80xi32, #tpu.memory_space<hbm>>) dst(%dma_wait3A_50 : memref<80xi32, #tpu.memory_space<vmem>>)
    %scan3A = arith.constant 0 : i32
    %scan3A_54 = arith.constant 0 : i32
    %scan3A_55 = arith.constant 5 : i32
    %scan3A_56 = arith.addi %scan3A_54, %scan3A_55 : i32
    %scan3A_57 = arith.constant 1 : i32
    scf.for %scan3A_139 = %scan3A_54 to %scan3A_56 step %scan3A_57  : i32 {
      %mul3A = arith.constant 16 : i32
      %mul3A_140 = arith.muli %scan3A_139, %mul3A : i32
      %get3A = arith.constant 0 : i32
      %get3A_141 = arith.index_cast %get3A : i32 to index
      %get3A_142 = arith.index_cast %mul3A_140 : i32 to index
      %get3A_143 = tpu.vector_load %arg7[%get3A_141, %get3A_142] {strides = array<i32>} : memref<4x80xi32, #tpu.memory_space<vmem>>, vector<1x16xi32>,
      %get3A_144 = vector.shape_cast %get3A_143 : vector<1x16xi32> to vector<16xi32>
      %add3A = arith.addi %get3A_144, %get3A_144 : vector<16xi32>
      %add3A_145 = vector.broadcast %arg0 : i32 to vector<16xi32>
      %add3A_146 = arith.addi %add3A, %add3A_145 : vector<16xi32>
      %mul3A_147 = arith.constant 16 : i32
      %mul3A_148 = arith.muli %scan3A_139, %mul3A_147 : i32
      %swap3A = arith.constant 0 : i32
      %swap3A_149 = arith.index_cast %swap3A : i32 to index
      %swap3A_150 = arith.index_cast %mul3A_148 : i32 to index
      %swap3A_151 = tpu.vector_load %arg7[%swap3A_149, %swap3A_150] {strides = array<i32>} : memref<4x80xi32, #tpu.memory_space<vmem>>, vector<1x16xi32>,
      %swap3A_152 = vector.shape_cast %swap3A_151 : vector<1x16xi32> to vector<16xi32>
      %swap3A_153 = vector.shape_cast %add3A_146 : vector<16xi32> to vector<1x16xi32>
      tpu.vector_store %arg7[%swap3A_149, %swap3A_150], %swap3A_153 {strides = array<i32>} : memref<4x80xi32, #tpu.memory_space<vmem>>, vector<1x16xi32>,
      %iota3A = tpu.iota {dimensions = array<i32: 0>} : vector<16xi32>
      %mul3A_154 = arith.constant 10000 : i32
      %mul3A_155 = arith.muli %arg1, %mul3A_154 : i32
      %add3A_156 = arith.constant 0 : i32
      %add3A_157 = arith.addi %mul3A_155, %add3A_156 : i32
      %mul3A_158 = arith.constant 16 : i32
      %mul3A_159 = arith.muli %scan3A_139, %mul3A_158 : i32
      %add3A_160 = arith.addi %add3A_157, %mul3A_159 : i32
      %add3A_161 = vector.broadcast %add3A_160 : i32 to vector<16xi32>
      %add3A_162 = arith.addi %iota3A, %add3A_161 : vector<16xi32>
      %add3A_163 = arith.addi %add3A_162, %add3A_162 : vector<16xi32>
      %add3A_164 = vector.broadcast %arg0 : i32 to vector<16xi32>
      %add3A_165 = arith.addi %add3A_163, %add3A_164 : vector<16xi32>
      %mul3A_166 = arith.constant 16 : i32
      %mul3A_167 = arith.muli %scan3A_139, %mul3A_166 : i32
      %swap3A_168 = arith.constant 0 : i32
      %swap3A_169 = arith.index_cast %swap3A_168 : i32 to index
      %swap3A_170 = arith.index_cast %mul3A_167 : i32 to index
      %swap3A_171 = tpu.vector_load %arg9[%swap3A_169, %swap3A_170] {strides = array<i32>} : memref<4x80xi32, #tpu.memory_space<vmem>>, vector<1x16xi32>,
      %swap3A_172 = vector.shape_cast %swap3A_171 : vector<1x16xi32> to vector<16xi32>
      %swap3A_173 = vector.shape_cast %add3A_165 : vector<16xi32> to vector<1x16xi32>
      tpu.vector_store %arg9[%swap3A_169, %swap3A_170], %swap3A_173 {strides = array<i32>} : memref<4x80xi32, #tpu.memory_space<vmem>>, vector<1x16xi32>,
    }
    %scan3A_58 = arith.constant 5 : i32
    %dma_start3A_59 = arith.constant 0 : i32
    %dma_start3A_60 = arith.constant 0 : i32
    %dma_start3A_61 = tpu.memref_slice %arg7[%dma_start3A_59, %dma_start3A_60] : memref<4x80xi32, #tpu.memory_space<vmem>> -> memref<1x80xi32, #tpu.memory_space<vmem>>
    %dma_start3A_62 = tpu.memref_squeeze %dma_start3A_61 : memref<1x80xi32, #tpu.memory_space<vmem>> -> memref<80xi32, #tpu.memory_space<vmem>>
    %dma_start3A_63 = arith.constant 0 : i32
    %dma_start3A_64 = arith.constant 0 : i32
    %dma_start3A_65 = tpu.memref_slice %arg2[%dma_start3A_63, %dma_start3A_64] : memref<20000x128xf32, #tpu.memory_space<hbm>> -> memref<20000x128xf32, #tpu.memory_space<hbm>>
    tpu.enqueue_indirect_dma source(%dma_start3A_65 : memref<20000x128xf32, #tpu.memory_space<hbm>>) target(%arg10 : memref<80x128xf32, #tpu.memory_space<vmem>>) offsets(%dma_start3A_62 : memref<80xi32, #tpu.memory_space<vmem>>) semaphore(%arg16 : memref<!tpu.dma_semaphore, #tpu.memory_space<semaphore_mem>>)
    %dma_start3A_66 = arith.constant 0 : i32
    %dma_start3A_67 = arith.constant 0 : i32
    %dma_start3A_68 = tpu.memref_slice %arg9[%dma_start3A_66, %dma_start3A_67] : memref<4x80xi32, #tpu.memory_space<vmem>> -> memref<1x80xi32, #tpu.memory_space<vmem>>
    %dma_start3A_69 = tpu.memref_squeeze %dma_start3A_68 : memref<1x80xi32, #tpu.memory_space<vmem>> -> memref<80xi32, #tpu.memory_space<vmem>>
    %dma_start3A_70 = arith.constant 0 : i32
    %dma_start3A_71 = arith.constant 0 : i32
    %dma_start3A_72 = tpu.memref_slice %arg5[%dma_start3A_70, %dma_start3A_71] : memref<320000x128xf32, #tpu.memory_space<hbm>> -> memref<320000x128xf32, #tpu.memory_space<hbm>>
    tpu.enqueue_indirect_dma source(%dma_start3A_72 : memref<320000x128xf32, #tpu.memory_space<hbm>>) target(%arg12 : memref<80x128xf32, #tpu.memory_space<vmem>>) offsets(%dma_start3A_69 : memref<80xi32, #tpu.memory_space<vmem>>) semaphore(%arg18 : memref<!tpu.dma_semaphore, #tpu.memory_space<semaphore_mem>>)
    %dma_start3A_73 = arith.constant 1 : i32
    %dma_start3A_74 = arith.constant 1 : i32
    %dma_start3A_75 = arith.constant 0 : i32
    %dma_start3A_76 = tpu.memref_slice %arg7[%dma_start3A_74, %dma_start3A_75] : memref<4x80xi32, #tpu.memory_space<vmem>> -> memref<1x80xi32, #tpu.memory_space<vmem>>
    %dma_start3A_77 = tpu.memref_squeeze %dma_start3A_76 : memref<1x80xi32, #tpu.memory_space<vmem>> -> memref<80xi32, #tpu.memory_space<vmem>>
    %dma_start3A_78 = arith.constant 0 : i32
    %dma_start3A_79 = tpu.memref_slice %arg3[%arg1, %dma_start3A_73, %dma_start3A_78] : memref<16x125x80xi32, #tpu.memory_space<hbm>> -> memref<1x1x80xi32, #tpu.memory_space<hbm>>
    %dma_start3A_80 = tpu.memref_squeeze %dma_start3A_79 : memref<1x1x80xi32, #tpu.memory_space<hbm>> -> memref<80xi32, #tpu.memory_space<hbm>>
    %dma_start3A_81 = arith.constant 0 : i32
    %dma_start3A_82 = tpu.memref_slice %arg7[%dma_start3A_74, %dma_start3A_81] : memref<4x80xi32, #tpu.memory_space<vmem>> -> memref<1x80xi32, #tpu.memory_space<vmem>>
    %dma_start3A_83 = tpu.memref_squeeze %dma_start3A_82 : memref<1x80xi32, #tpu.memory_space<vmem>> -> memref<80xi32, #tpu.memory_space<vmem>>
    %dma_start3A_84 = arith.constant 0 : i32
    %dma_start3A_85 = tpu.memref_slice %arg3[%arg1, %dma_start3A_73, %dma_start3A_84] : memref<16x125x80xi32, #tpu.memory_space<hbm>> -> memref<1x1x80xi32, #tpu.memory_space<hbm>>
    %dma_start3A_86 = tpu.memref_squeeze %dma_start3A_85 : memref<1x1x80xi32, #tpu.memory_space<hbm>> -> memref<80xi32, #tpu.memory_space<hbm>>
    tpu.enqueue_dma source(%dma_start3A_86 : memref<80xi32, #tpu.memory_space<hbm>>) target(%dma_start3A_83 : memref<80xi32, #tpu.memory_space<vmem>>) target_semaphore(%arg21 : memref<!tpu.dma_semaphore, #tpu.memory_space<semaphore_mem>>)
    %dma_start3A_87 = arith.constant 1 : i32
    %dma_start3A_88 = arith.constant 1 : i32
    %dma_start3A_89 = arith.constant 0 : i32
    %dma_start3A_90 = tpu.memref_slice %arg8[%dma_start3A_88, %dma_start3A_89] : memref<4x80xi32, #tpu.memory_space<vmem>> -> memref<1x80xi32, #tpu.memory_space<vmem>>
    %dma_start3A_91 = tpu.memref_squeeze %dma_start3A_90 : memref<1x80xi32, #tpu.memory_space<vmem>> -> memref<80xi32, #tpu.memory_space<vmem>>
    %dma_start3A_92 = arith.constant 0 : i32
    %dma_start3A_93 = tpu.memref_slice %arg4[%arg1, %dma_start3A_87, %dma_start3A_92] : memref<16x125x80xi32, #tpu.memory_space<hbm>> -> memref<1x1x80xi32, #tpu.memory_space<hbm>>
    %dma_start3A_94 = tpu.memref_squeeze %dma_start3A_93 : memref<1x1x80xi32, #tpu.memory_space<hbm>> -> memref<80xi32, #tpu.memory_space<hbm>>
    %dma_start3A_95 = arith.constant 0 : i32
    %dma_start3A_96 = tpu.memref_slice %arg8[%dma_start3A_88, %dma_start3A_95] : memref<4x80xi32, #tpu.memory_space<vmem>> -> memref<1x80xi32, #tpu.memory_space<vmem>>
    %dma_start3A_97 = tpu.memref_squeeze %dma_start3A_96 : memref<1x80xi32, #tpu.memory_space<vmem>> -> memref<80xi32, #tpu.memory_space<vmem>>
    %dma_start3A_98 = arith.constant 0 : i32
    %dma_start3A_99 = tpu.memref_slice %arg4[%arg1, %dma_start3A_87, %dma_start3A_98] : memref<16x125x80xi32, #tpu.memory_space<hbm>> -> memref<1x1x80xi32, #tpu.memory_space<hbm>>
    %dma_start3A_100 = tpu.memref_squeeze %dma_start3A_99 : memref<1x1x80xi32, #tpu.memory_space<hbm>> -> memref<80xi32, #tpu.memory_space<hbm>>
    tpu.enqueue_dma source(%dma_start3A_100 : memref<80xi32, #tpu.memory_space<hbm>>) target(%dma_start3A_97 : memref<80xi32, #tpu.memory_space<vmem>>) target_semaphore(%arg21 : memref<!tpu.dma_semaphore, #tpu.memory_space<semaphore_mem>>)
    %scan3A_101 = arith.constant 0 : i32
    %scan3A_102 = arith.constant 0 : i32
    %scan3A_103 = arith.constant 320 : i32
    %scan3A_104 = arith.addi %scan3A_102, %scan3A_103 : i32
    %scan3A_105 = arith.constant 1 : i32
    scf.for %scan3A_139 = %scan3A_102 to %scan3A_104 step %scan3A_105  : i32 {
      %jit3A = arith.constant 8 : i32
      %div3A = arith.divsi %scan3A_139, %jit3A : i32
      %sign3A = arith.constant 0 : i32
      %sign3A_140 = arith.cmpi sgt, %scan3A_139, %sign3A : i32
      %sign3A_141 = arith.extui %sign3A_140 : i1 to i32
      %sign3A_142 = arith.constant 0 : i32
      %sign3A_143 = arith.cmpi slt, %scan3A_139, %sign3A_142 : i32
      %sign3A_144 = arith.extui %sign3A_143 : i1 to i32
      %sign3A_145 = arith.subi %sign3A_141, %sign3A_144 : i32
      %sign3A_146 = arith.constant 0 : i32
      %sign3A_147 = arith.cmpi sgt, %jit3A, %sign3A_146 : i32
      %sign3A_148 = arith.extui %sign3A_147 : i1 to i32
      %sign3A_149 = arith.constant 0 : i32
      %sign3A_150 = arith.cmpi slt, %jit3A, %sign3A_149 : i32
      %sign3A_151 = arith.extui %sign3A_150 : i1 to i32
      %sign3A_152 = arith.subi %sign3A_148, %sign3A_151 : i32
      %ne3A = arith.cmpi ne, %sign3A_145, %sign3A_152 : i32
      %rem3A = arith.remsi %scan3A_139, %jit3A : i32
      %ne3A_153 = arith.constant 0 : i32
      %ne3A_154 = arith.cmpi ne, %rem3A, %ne3A_153 : i32
      %and3A = arith.andi %ne3A, %ne3A_154 : i1
      %sub3A = arith.constant 1 : i32
      %sub3A_155 = arith.subi %div3A, %sub3A : i32
      %select_n3A = arith.select %and3A, %sub3A_155, %div3A : i32
      %mul3A = arith.constant 8 : i32
      %mul3A_156 = arith.muli %select_n3A, %mul3A : i32
      %sub3A_157 = arith.subi %scan3A_139, %mul3A_156 : i32
      %broadcast_in_dim3A = arith.constant 0.000000e+00 : f32
      %broadcast_in_dim3A_158 = vector.broadcast %broadcast_in_dim3A : f32 to vector<16xf32>
      %mul3A_159 = arith.constant 16 : i32
      %mul3A_160 = arith.muli %sub3A_157, %mul3A_159 : i32
      %swap3A = arith.index_cast %select_n3A : i32 to index
      %swap3A_161 = arith.index_cast %mul3A_160 : i32 to index
      %swap3A_162 = tpu.vector_load %arg14[%swap3A, %swap3A_161] {strides = array<i32>} : memref<40x128xf32, #tpu.memory_space<vmem>>, vector<1x16xf32>,
      %swap3A_163 = vector.shape_cast %swap3A_162 : vector<1x16xf32> to vector<16xf32>
      %swap3A_164 = vector.shape_cast %broadcast_in_dim3A_158 : vector<16xf32> to vector<1x16xf32>
      tpu.vector_store %arg14[%swap3A, %swap3A_161], %swap3A_164 {strides = array<i32>} : memref<40x128xf32, #tpu.memory_space<vmem>>, vector<1x16xf32>,
    }
    %scan3A_106 = arith.constant 320 : i32
    %scan3A_107 = arith.constant 0 : i32
    %scan3A_108 = arith.constant 0 : i32
    %scan3A_109 = arith.constant 16 : i32
    %scan3A_110 = arith.addi %scan3A_108, %scan3A_109 : i32
    %scan3A_111 = arith.constant 1 : i32
    scf.for %scan3A_139 = %scan3A_108 to %scan3A_110 step %scan3A_111  : i32 {
      %mul3A = arith.constant 16 : i32
      %mul3A_140 = arith.muli %scan3A_139, %mul3A : i32
      %add3A = arith.addi %mul3A_140, %arg1 : i32
      %lt3A = arith.constant 250 : i32
      %lt3A_141 = arith.cmpi slt, %add3A, %lt3A : i32
      %convert_element_type3A = arith.extui %lt3A_141 : i1 to i32
      %cond3A = arith.constant 0 : i32
      %cond3A_142 = arith.cmpi ne, %convert_element_type3A, %cond3A : i32
      scf.if %cond3A_142 {
        %mul3A_143 = arith.constant 40 : i32
        %mul3A_144 = arith.muli %add3A, %mul3A_143 : i32
        "tpu.region"() ({
          %run_scoped3A_145 = tpu.sem_alloc : memref<!tpu.dma_semaphore, #tpu.memory_space<semaphore_mem>>
          %dma_start3A_146 = arith.constant 0 : i32
          %dma_start3A_147 = tpu.memref_slice %arg15[%mul3A_144, %dma_start3A_146] : memref<10000x128xf32, #tpu.memory_space<vmem_shared>> -> memref<40x128xf32, #tpu.memory_space<vmem_shared>>
          %dma_start3A_148 = arith.constant 0 : i32
          %dma_start3A_149 = tpu.memref_slice %arg15[%mul3A_144, %dma_start3A_148] : memref<10000x128xf32, #tpu.memory_space<vmem_shared>> -> memref<40x128xf32, #tpu.memory_space<vmem_shared>>
          tpu.enqueue_dma source(%arg14 : memref<40x128xf32, #tpu.memory_space<vmem>>) target(%dma_start3A_149 : memref<40x128xf32, #tpu.memory_space<vmem_shared>>) target_semaphore(%run_scoped3A_145 : memref<!tpu.dma_semaphore, #tpu.memory_space<semaphore_mem>>)
          %dma_wait3A_150 = arith.constant 0 : i32
          %dma_wait3A_151 = tpu.memref_slice %arg15[%mul3A_144, %dma_wait3A_150] : memref<10000x128xf32, #tpu.memory_space<vmem_shared>> -> memref<40x128xf32, #tpu.memory_space<vmem_shared>>
          %dma_wait3A_152 = arith.constant 0 : i32
          %dma_wait3A_153 = tpu.memref_slice %arg15[%mul3A_144, %dma_wait3A_152] : memref<10000x128xf32, #tpu.memory_space<vmem_shared>> -> memref<40x128xf32, #tpu.memory_space<vmem_shared>>
          tpu.wait_dma2 semaphore(%run_scoped3A_145 : memref<!tpu.dma_semaphore, #tpu.memory_space<semaphore_mem>>) src(%arg14 : memref<40x128xf32, #tpu.memory_space<vmem>>) dst(%dma_wait3A_153 : memref<40x128xf32, #tpu.memory_space<vmem_shared>>)
          tpu.yield
        }) : () -> ()
      } else {
      }
    }
    %scan3A_112 = arith.constant 16 : i32
    %barrier3A = arith.constant 0 : index
    tpu.barrier barrier_id(%barrier3A)
    %scan3A_113 = arith.constant 0 : i32
    %scan3A_114 = arith.constant 0 : i32
    %scan3A_115 = arith.constant 31 : i32
    %scan3A_116 = arith.addi %scan3A_114, %scan3A_115 : i32
    %scan3A_117 = arith.constant 1 : i32
    scf.for %scan3A_139 = %scan3A_114 to %scan3A_116 step %scan3A_117  : i32 {
      %mul3A = arith.constant 4 : i32
      %mul3A_140 = arith.muli %scan3A_139, %mul3A : i32
      %add3A = arith.constant 0 : i32
      %add3A_141 = arith.addi %mul3A_140, %add3A : i32
      %dma_wait3A_142 = arith.constant 0 : i32
      %dma_wait3A_143 = arith.constant 1 : i32
      %dma_wait3A_144 = arith.constant 0 : i32
      %dma_wait3A_145 = tpu.memref_slice %arg7[%dma_wait3A_143, %dma_wait3A_144] : memref<4x80xi32, #tpu.memory_space<vmem>> -> memref<1x80xi32, #tpu.memory_space<vmem>>
      %dma_wait3A_146 = tpu.memref_squeeze %dma_wait3A_145 : memref<1x80xi32, #tpu.memory_space<vmem>> -> memref<80xi32, #tpu.memory_space<vmem>>
      %dma_wait3A_147 = arith.constant 0 : i32
      %dma_wait3A_148 = tpu.memref_slice %arg3[%arg1, %dma_wait3A_142, %dma_wait3A_147] : memref<16x125x80xi32, #tpu.memory_space<hbm>> -> memref<1x1x80xi32, #tpu.memory_space<hbm>>
      %dma_wait3A_149 = tpu.memref_squeeze %dma_wait3A_148 : memref<1x1x80xi32, #tpu.memory_space<hbm>> -> memref<80xi32, #tpu.memory_space<hbm>>
      %dma_wait3A_150 = arith.constant 0 : i32
      %dma_wait3A_151 = tpu.memref_slice %arg7[%dma_wait3A_143, %dma_wait3A_150] : memref<4x80xi32, #tpu.memory_space<vmem>> -> memref<1x80xi32, #tpu.memory_space<vmem>>
      %dma_wait3A_152 = tpu.memref_squeeze %dma_wait3A_151 : memref<1x80xi32, #tpu.memory_space<vmem>> -> memref<80xi32, #tpu.memory_space<vmem>>
      %dma_wait3A_153 = arith.constant 0 : i32
      %dma_wait3A_154 = tpu.memref_slice %arg3[%arg1, %dma_wait3A_142, %dma_wait3A_153] : memref<16x125x80xi32, #tpu.memory_space<hbm>> -> memref<1x1x80xi32, #tpu.memory_space<hbm>>
      %dma_wait3A_155 = tpu.memref_squeeze %dma_wait3A_154 : memref<1x1x80xi32, #tpu.memory_space<hbm>> -> memref<80xi32, #tpu.memory_space<hbm>>
      tpu.wait_dma2 semaphore(%arg21 : memref<!tpu.dma_semaphore, #tpu.memory_space<semaphore_mem>>) src(%dma_wait3A_155 : memref<80xi32, #tpu.memory_space<hbm>>) dst(%dma_wait3A_152 : memref<80xi32, #tpu.memory_space<vmem>>)
      %dma_wait3A_156 = arith.constant 0 : i32
      %dma_wait3A_157 = arith.constant 1 : i32
      %dma_wait3A_158 = arith.constant 0 : i32
      %dma_wait3A_159 = tpu.memref_slice %arg8[%dma_wait3A_157, %dma_wait3A_158] : memref<4x80xi32, #tpu.memory_space<vmem>> -> memref<1x80xi32, #tpu.memory_space<vmem>>
      %dma_wait3A_160 = tpu.memref_squeeze %dma_wait3A_159 : memref<1x80xi32, #tpu.memory_space<vmem>> -> memref<80xi32, #tpu.memory_space<vmem>>
      %dma_wait3A_161 = arith.constant 0 : i32
      %dma_wait3A_162 = tpu.memref_slice %arg4[%arg1, %dma_wait3A_156, %dma_wait3A_161] : memref<16x125x80xi32, #tpu.memory_space<hbm>> -> memref<1x1x80xi32, #tpu.memory_space<hbm>>
      %dma_wait3A_163 = tpu.memref_squeeze %dma_wait3A_162 : memref<1x1x80xi32, #tpu.memory_space<hbm>> -> memref<80xi32, #tpu.memory_space<hbm>>
      %dma_wait3A_164 = arith.constant 0 : i32
      %dma_wait3A_165 = tpu.memref_slice %arg8[%dma_wait3A_157, %dma_wait3A_164] : memref<4x80xi32, #tpu.memory_space<vmem>> -> memref<1x80xi32, #tpu.memory_space<vmem>>
      %dma_wait3A_166 = tpu.memref_squeeze %dma_wait3A_165 : memref<1x80xi32, #tpu.memory_space<vmem>> -> memref<80xi32, #tpu.memory_space<vmem>>
      %dma_wait3A_167 = arith.constant 0 : i32
      %dma_wait3A_168 = tpu.memref_slice %arg4[%arg1, %dma_wait3A_156, %dma_wait3A_167] : memref<16x125x80xi32, #tpu.memory_space<hbm>> -> memref<1x1x80xi32, #tpu.memory_space<hbm>>
      %dma_wait3A_169 = tpu.memref_squeeze %dma_wait3A_168 : memref<1x1x80xi32, #tpu.memory_space<hbm>> -> memref<80xi32, #tpu.memory_space<hbm>>
      tpu.wait_dma2 semaphore(%arg21 : memref<!tpu.dma_semaphore, #tpu.memory_space<semaphore_mem>>) src(%dma_wait3A_169 : memref<80xi32, #tpu.memory_space<hbm>>) dst(%dma_wait3A_166 : memref<80xi32, #tpu.memory_space<vmem>>)
      %add3A_170 = arith.constant 1 : i32
      %add3A_171 = arith.addi %add3A_141, %add3A_170 : i32
      %scan3A_172 = arith.constant 0 : i32
      %scan3A_173 = arith.constant 0 : i32
      %scan3A_174 = arith.constant 5 : i32
      %scan3A_175 = arith.addi %scan3A_173, %scan3A_174 : i32
      %scan3A_176 = arith.constant 1 : i32
      scf.for %scan3A_429 = %scan3A_173 to %scan3A_175 step %scan3A_176  : i32 {
        %mul3A_430 = arith.constant 16 : i32
        %mul3A_431 = arith.muli %scan3A_429, %mul3A_430 : i32
        %get3A = arith.constant 1 : i32
        %get3A_432 = arith.index_cast %get3A : i32 to index
        %get3A_433 = arith.index_cast %mul3A_431 : i32 to index
        %get3A_434 = tpu.vector_load %arg7[%get3A_432, %get3A_433] {strides = array<i32>} : memref<4x80xi32, #tpu.memory_space<vmem>>, vector<1x16xi32>,
        %get3A_435 = vector.shape_cast %get3A_434 : vector<1x16xi32> to vector<16xi32>
        %add3A_436 = arith.addi %get3A_435, %get3A_435 : vector<16xi32>
        %add3A_437 = vector.broadcast %arg0 : i32 to vector<16xi32>
        %add3A_438 = arith.addi %add3A_436, %add3A_437 : vector<16xi32>
        %mul3A_439 = arith.constant 16 : i32
        %mul3A_440 = arith.muli %scan3A_429, %mul3A_439 : i32
        %swap3A = arith.constant 1 : i32
        %swap3A_441 = arith.index_cast %swap3A : i32 to index
        %swap3A_442 = arith.index_cast %mul3A_440 : i32 to index
        %swap3A_443 = tpu.vector_load %arg7[%swap3A_441, %swap3A_442] {strides = array<i32>} : memref<4x80xi32, #tpu.memory_space<vmem>>, vector<1x16xi32>,
        %swap3A_444 = vector.shape_cast %swap3A_443 : vector<1x16xi32> to vector<16xi32>
        %swap3A_445 = vector.shape_cast %add3A_438 : vector<16xi32> to vector<1x16xi32>
        tpu.vector_store %arg7[%swap3A_441, %swap3A_442], %swap3A_445 {strides = array<i32>} : memref<4x80xi32, #tpu.memory_space<vmem>>, vector<1x16xi32>,
        %iota3A = tpu.iota {dimensions = array<i32: 0>} : vector<16xi32>
        %mul3A_446 = arith.constant 10000 : i32
        %mul3A_447 = arith.muli %arg1, %mul3A_446 : i32
        %mul3A_448 = arith.constant 80 : i32
        %mul3A_449 = arith.muli %add3A_171, %mul3A_448 : i32
        %add3A_450 = arith.addi %mul3A_447, %mul3A_449 : i32
        %mul3A_451 = arith.constant 16 : i32
        %mul3A_452 = arith.muli %scan3A_429, %mul3A_451 : i32
        %add3A_453 = arith.addi %add3A_450, %mul3A_452 : i32
        %add3A_454 = vector.broadcast %add3A_453 : i32 to vector<16xi32>
        %add3A_455 = arith.addi %iota3A, %add3A_454 : vector<16xi32>
        %add3A_456 = arith.addi %add3A_455, %add3A_455 : vector<16xi32>
        %add3A_457 = vector.broadcast %arg0 : i32 to vector<16xi32>
        %add3A_458 = arith.addi %add3A_456, %add3A_457 : vector<16xi32>
        %mul3A_459 = arith.constant 16 : i32
        %mul3A_460 = arith.muli %scan3A_429, %mul3A_459 : i32
        %swap3A_461 = arith.constant 1 : i32
        %swap3A_462 = arith.index_cast %swap3A_461 : i32 to index
        %swap3A_463 = arith.index_cast %mul3A_460 : i32 to index
        %swap3A_464 = tpu.vector_load %arg9[%swap3A_462, %swap3A_463] {strides = array<i32>} : memref<4x80xi32, #tpu.memory_space<vmem>>, vector<1x16xi32>,
        %swap3A_465 = vector.shape_cast %swap3A_464 : vector<1x16xi32> to vector<16xi32>
        %swap3A_466 = vector.shape_cast %add3A_458 : vector<16xi32> to vector<1x16xi32>
        tpu.vector_store %arg9[%swap3A_462, %swap3A_463], %swap3A_466 {strides = array<i32>} : memref<4x80xi32, #tpu.memory_space<vmem>>, vector<1x16xi32>,
      }
      %scan3A_177 = arith.constant 5 : i32
      %dma_start3A_178 = arith.constant 1 : i32
      %dma_start3A_179 = arith.constant 0 : i32
      %dma_start3A_180 = tpu.memref_slice %arg7[%dma_start3A_178, %dma_start3A_179] : memref<4x80xi32, #tpu.memory_space<vmem>> -> memref<1x80xi32, #tpu.memory_space<vmem>>
      %dma_start3A_181 = tpu.memref_squeeze %dma_start3A_180 : memref<1x80xi32, #tpu.memory_space<vmem>> -> memref<80xi32, #tpu.memory_space<vmem>>
      %dma_start3A_182 = arith.constant 0 : i32
      %dma_start3A_183 = arith.constant 0 : i32
      %dma_start3A_184 = tpu.memref_slice %arg2[%dma_start3A_182, %dma_start3A_183] : memref<20000x128xf32, #tpu.memory_space<hbm>> -> memref<20000x128xf32, #tpu.memory_space<hbm>>
      tpu.enqueue_indirect_dma source(%dma_start3A_184 : memref<20000x128xf32, #tpu.memory_space<hbm>>) target(%arg11 : memref<80x128xf32, #tpu.memory_space<vmem>>) offsets(%dma_start3A_181 : memref<80xi32, #tpu.memory_space<vmem>>) semaphore(%arg17 : memref<!tpu.dma_semaphore, #tpu.memory_space<semaphore_mem>>)
      %dma_start3A_185 = arith.constant 1 : i32
      %dma_start3A_186 = arith.constant 0 : i32
      %dma_start3A_187 = tpu.memref_slice %arg9[%dma_start3A_185, %dma_start3A_186] : memref<4x80xi32, #tpu.memory_space<vmem>> -> memref<1x80xi32, #tpu.memory_space<vmem>>
      %dma_start3A_188 = tpu.memref_squeeze %dma_start3A_187 : memref<1x80xi32, #tpu.memory_space<vmem>> -> memref<80xi32, #tpu.memory_space<vmem>>
      %dma_start3A_189 = arith.constant 0 : i32
      %dma_start3A_190 = arith.constant 0 : i32
      %dma_start3A_191 = tpu.memref_slice %arg5[%dma_start3A_189, %dma_start3A_190] : memref<320000x128xf32, #tpu.memory_space<hbm>> -> memref<320000x128xf32, #tpu.memory_space<hbm>>
      tpu.enqueue_indirect_dma source(%dma_start3A_191 : memref<320000x128xf32, #tpu.memory_space<hbm>>) target(%arg13 : memref<80x128xf32, #tpu.memory_space<vmem>>) offsets(%dma_start3A_188 : memref<80xi32, #tpu.memory_space<vmem>>) semaphore(%arg19 : memref<!tpu.dma_semaphore, #tpu.memory_space<semaphore_mem>>)
      %add3A_192 = arith.constant 2 : i32
      %add3A_193 = arith.addi %add3A_141, %add3A_192 : i32
      %lt3A = arith.constant 125 : i32
      %lt3A_194 = arith.cmpi slt, %add3A_193, %lt3A : i32
      %convert_element_type3A = arith.extui %lt3A_194 : i1 to i32
      %cond3A = arith.constant 0 : i32
      %cond3A_195 = arith.cmpi ne, %convert_element_type3A, %cond3A : i32
      scf.if %cond3A_195 {
        %add3A_429 = arith.constant 2 : i32
        %add3A_430 = arith.addi %add3A_141, %add3A_429 : i32
        %dma_start3A_431 = arith.constant 2 : i32
        %dma_start3A_432 = arith.constant 0 : i32
        %dma_start3A_433 = tpu.memref_slice %arg7[%dma_start3A_431, %dma_start3A_432] : memref<4x80xi32, #tpu.memory_space<vmem>> -> memref<1x80xi32, #tpu.memory_space<vmem>>
        %dma_start3A_434 = tpu.memref_squeeze %dma_start3A_433 : memref<1x80xi32, #tpu.memory_space<vmem>> -> memref<80xi32, #tpu.memory_space<vmem>>
        %dma_start3A_435 = arith.constant 0 : i32
        %dma_start3A_436 = tpu.memref_slice %arg3[%arg1, %add3A_430, %dma_start3A_435] : memref<16x125x80xi32, #tpu.memory_space<hbm>> -> memref<1x1x80xi32, #tpu.memory_space<hbm>>
        %dma_start3A_437 = tpu.memref_squeeze %dma_start3A_436 : memref<1x1x80xi32, #tpu.memory_space<hbm>> -> memref<80xi32, #tpu.memory_space<hbm>>
        %dma_start3A_438 = arith.constant 0 : i32
        %dma_start3A_439 = tpu.memref_slice %arg7[%dma_start3A_431, %dma_start3A_438] : memref<4x80xi32, #tpu.memory_space<vmem>> -> memref<1x80xi32, #tpu.memory_space<vmem>>
        %dma_start3A_440 = tpu.memref_squeeze %dma_start3A_439 : memref<1x80xi32, #tpu.memory_space<vmem>> -> memref<80xi32, #tpu.memory_space<vmem>>
        %dma_start3A_441 = arith.constant 0 : i32
        %dma_start3A_442 = tpu.memref_slice %arg3[%arg1, %add3A_430, %dma_start3A_441] : memref<16x125x80xi32, #tpu.memory_space<hbm>> -> memref<1x1x80xi32, #tpu.memory_space<hbm>>
        %dma_start3A_443 = tpu.memref_squeeze %dma_start3A_442 : memref<1x1x80xi32, #tpu.memory_space<hbm>> -> memref<80xi32, #tpu.memory_space<hbm>>
        tpu.enqueue_dma source(%dma_start3A_443 : memref<80xi32, #tpu.memory_space<hbm>>) target(%dma_start3A_440 : memref<80xi32, #tpu.memory_space<vmem>>) target_semaphore(%arg22 : memref<!tpu.dma_semaphore, #tpu.memory_space<semaphore_mem>>)
        %dma_start3A_444 = arith.constant 2 : i32
        %dma_start3A_445 = arith.constant 0 : i32
        %dma_start3A_446 = tpu.memref_slice %arg8[%dma_start3A_444, %dma_start3A_445] : memref<4x80xi32, #tpu.memory_space<vmem>> -> memref<1x80xi32, #tpu.memory_space<vmem>>
        %dma_start3A_447 = tpu.memref_squeeze %dma_start3A_446 : memref<1x80xi32, #tpu.memory_space<vmem>> -> memref<80xi32, #tpu.memory_space<vmem>>
        %dma_start3A_448 = arith.constant 0 : i32
        %dma_start3A_449 = tpu.memref_slice %arg4[%arg1, %add3A_430, %dma_start3A_448] : memref<16x125x80xi32, #tpu.memory_space<hbm>> -> memref<1x1x80xi32, #tpu.memory_space<hbm>>
        %dma_start3A_450 = tpu.memref_squeeze %dma_start3A_449 : memref<1x1x80xi32, #tpu.memory_space<hbm>> -> memref<80xi32, #tpu.memory_space<hbm>>
        %dma_start3A_451 = arith.constant 0 : i32
        %dma_start3A_452 = tpu.memref_slice %arg8[%dma_start3A_444, %dma_start3A_451] : memref<4x80xi32, #tpu.memory_space<vmem>> -> memref<1x80xi32, #tpu.memory_space<vmem>>
        %dma_start3A_453 = tpu.memref_squeeze %dma_start3A_452 : memref<1x80xi32, #tpu.memory_space<vmem>> -> memref<80xi32, #tpu.memory_space<vmem>>
        %dma_start3A_454 = arith.constant 0 : i32
        %dma_start3A_455 = tpu.memref_slice %arg4[%arg1, %add3A_430, %dma_start3A_454] : memref<16x125x80xi32, #tpu.memory_space<hbm>> -> memref<1x1x80xi32, #tpu.memory_space<hbm>>
        %dma_start3A_456 = tpu.memref_squeeze %dma_start3A_455 : memref<1x1x80xi32, #tpu.memory_space<hbm>> -> memref<80xi32, #tpu.memory_space<hbm>>
        tpu.enqueue_dma source(%dma_start3A_456 : memref<80xi32, #tpu.memory_space<hbm>>) target(%dma_start3A_453 : memref<80xi32, #tpu.memory_space<vmem>>) target_semaphore(%arg22 : memref<!tpu.dma_semaphore, #tpu.memory_space<semaphore_mem>>)
      } else {
      }
      %dma_wait3A_196 = arith.constant 0 : i32
      %dma_wait3A_197 = arith.constant 0 : i32
      %dma_wait3A_198 = tpu.memref_slice %arg2[%dma_wait3A_196, %dma_wait3A_197] : memref<20000x128xf32, #tpu.memory_space<hbm>> -> memref<80x128xf32, #tpu.memory_space<hbm>>
      %dma_wait3A_199 = arith.constant 0 : i32
      %dma_wait3A_200 = arith.constant 0 : i32
      %dma_wait3A_201 = tpu.memref_slice %arg2[%dma_wait3A_199, %dma_wait3A_200] : memref<20000x128xf32, #tpu.memory_space<hbm>> -> memref<80x128xf32, #tpu.memory_space<hbm>>
      tpu.wait_dma2 semaphore(%arg16 : memref<!tpu.dma_semaphore, #tpu.memory_space<semaphore_mem>>) src(%dma_wait3A_201 : memref<80x128xf32, #tpu.memory_space<hbm>>) dst(%arg10 : memref<80x128xf32, #tpu.memory_space<vmem>>)
      %dma_wait3A_202 = arith.constant 0 : i32
      %dma_wait3A_203 = arith.constant 0 : i32
      %dma_wait3A_204 = tpu.memref_slice %arg5[%dma_wait3A_202, %dma_wait3A_203] : memref<320000x128xf32, #tpu.memory_space<hbm>> -> memref<80x128xf32, #tpu.memory_space<hbm>>
      %dma_wait3A_205 = arith.constant 0 : i32
      %dma_wait3A_206 = arith.constant 0 : i32
      %dma_wait3A_207 = tpu.memref_slice %arg5[%dma_wait3A_205, %dma_wait3A_206] : memref<320000x128xf32, #tpu.memory_space<hbm>> -> memref<80x128xf32, #tpu.memory_space<hbm>>
      tpu.wait_dma2 semaphore(%arg18 : memref<!tpu.dma_semaphore, #tpu.memory_space<semaphore_mem>>) src(%dma_wait3A_207 : memref<80x128xf32, #tpu.memory_space<hbm>>) dst(%arg12 : memref<80x128xf32, #tpu.memory_space<vmem>>)
      %run_scoped3A_208 = arith.constant 0 : i32
      "tpu.region"() ({
        %run_scoped3A_429 = tpu.sem_alloc : memref<!tpu.dma_semaphore, #tpu.memory_space<semaphore_mem>>
        %dma_start3A_430 = arith.constant 0 : i32
        %dma_start3A_431 = tpu.memref_slice %arg8[%run_scoped3A_208, %dma_start3A_430] : memref<4x80xi32, #tpu.memory_space<vmem>> -> memref<1x80xi32, #tpu.memory_space<vmem>>
        %dma_start3A_432 = tpu.memref_squeeze %dma_start3A_431 : memref<1x80xi32, #tpu.memory_space<vmem>> -> memref<80xi32, #tpu.memory_space<vmem>>
        %dma_start3A_433 = arith.constant 0 : i32
        %dma_start3A_434 = arith.constant 0 : i32
        %dma_start3A_435 = tpu.memref_slice %arg15[%dma_start3A_433, %dma_start3A_434] : memref<10000x128xf32, #tpu.memory_space<vmem_shared>> -> memref<10000x128xf32, #tpu.memory_space<vmem_shared>>
        tpu.enqueue_indirect_dma source(%arg10 : memref<80x128xf32, #tpu.memory_space<vmem>>) target(%dma_start3A_435 : memref<10000x128xf32, #tpu.memory_space<vmem_shared>>) offsets(%dma_start3A_432 : memref<80xi32, #tpu.memory_space<vmem>>) semaphore(%run_scoped3A_429 : memref<!tpu.dma_semaphore, #tpu.memory_space<semaphore_mem>>) {add = true}
        %dma_wait3A_436 = arith.constant 0 : i32
        %dma_wait3A_437 = tpu.memref_slice %arg8[%run_scoped3A_208, %dma_wait3A_436] : memref<4x80xi32, #tpu.memory_space<vmem>> -> memref<1x80xi32, #tpu.memory_space<vmem>>
        %dma_wait3A_438 = tpu.memref_squeeze %dma_wait3A_437 : memref<1x80xi32, #tpu.memory_space<vmem>> -> memref<80xi32, #tpu.memory_space<vmem>>
        %dma_wait3A_439 = arith.constant 0 : i32
        %dma_wait3A_440 = arith.constant 0 : i32
        %dma_wait3A_441 = tpu.memref_slice %arg15[%dma_wait3A_439, %dma_wait3A_440] : memref<10000x128xf32, #tpu.memory_space<vmem_shared>> -> memref<10000x128xf32, #tpu.memory_space<vmem_shared>>
        tpu.wait_indirect_dma semaphore(%run_scoped3A_429 : memref<!tpu.dma_semaphore, #tpu.memory_space<semaphore_mem>>) src(%arg10 : memref<80x128xf32, #tpu.memory_space<vmem>>) dst(%dma_wait3A_441 : memref<10000x128xf32, #tpu.memory_space<vmem_shared>>)
        tpu.yield
      }) : () -> ()
      %run_scoped3A_209 = arith.constant 0 : i32
      "tpu.region"() ({
        %run_scoped3A_429 = tpu.sem_alloc : memref<!tpu.dma_semaphore, #tpu.memory_space<semaphore_mem>>
        %dma_start3A_430 = arith.constant 0 : i32
        %dma_start3A_431 = tpu.memref_slice %arg8[%run_scoped3A_209, %dma_start3A_430] : memref<4x80xi32, #tpu.memory_space<vmem>> -> memref<1x80xi32, #tpu.memory_space<vmem>>
        %dma_start3A_432 = tpu.memref_squeeze %dma_start3A_431 : memref<1x80xi32, #tpu.memory_space<vmem>> -> memref<80xi32, #tpu.memory_space<vmem>>
        %dma_start3A_433 = arith.constant 0 : i32
        %dma_start3A_434 = arith.constant 0 : i32
        %dma_start3A_435 = tpu.memref_slice %arg15[%dma_start3A_433, %dma_start3A_434] : memref<10000x128xf32, #tpu.memory_space<vmem_shared>> -> memref<10000x128xf32, #tpu.memory_space<vmem_shared>>
        tpu.enqueue_indirect_dma source(%arg12 : memref<80x128xf32, #tpu.memory_space<vmem>>) target(%dma_start3A_435 : memref<10000x128xf32, #tpu.memory_space<vmem_shared>>) offsets(%dma_start3A_432 : memref<80xi32, #tpu.memory_space<vmem>>) semaphore(%run_scoped3A_429 : memref<!tpu.dma_semaphore, #tpu.memory_space<semaphore_mem>>) {add = true}
        %dma_wait3A_436 = arith.constant 0 : i32
        %dma_wait3A_437 = tpu.memref_slice %arg8[%run_scoped3A_209, %dma_wait3A_436] : memref<4x80xi32, #tpu.memory_space<vmem>> -> memref<1x80xi32, #tpu.memory_space<vmem>>
        %dma_wait3A_438 = tpu.memref_squeeze %dma_wait3A_437 : memref<1x80xi32, #tpu.memory_space<vmem>> -> memref<80xi32, #tpu.memory_space<vmem>>
        %dma_wait3A_439 = arith.constant 0 : i32
        %dma_wait3A_440 = arith.constant 0 : i32
        %dma_wait3A_441 = tpu.memref_slice %arg15[%dma_wait3A_439, %dma_wait3A_440] : memref<10000x128xf32, #tpu.memory_space<vmem_shared>> -> memref<10000x128xf32, #tpu.memory_space<vmem_shared>>
        tpu.wait_indirect_dma semaphore(%run_scoped3A_429 : memref<!tpu.dma_semaphore, #tpu.memory_space<semaphore_mem>>) src(%arg12 : memref<80x128xf32, #tpu.memory_space<vmem>>) dst(%dma_wait3A_441 : memref<10000x128xf32, #tpu.memory_space<vmem_shared>>)
        tpu.yield
      }) : () -> ()
      %add3A_210 = arith.constant 1 : i32
      %add3A_211 = arith.addi %mul3A_140, %add3A_210 : i32
      %dma_wait3A_212 = arith.constant 0 : i32
      %dma_wait3A_213 = arith.constant 2 : i32
      %dma_wait3A_214 = arith.constant 0 : i32
      %dma_wait3A_215 = tpu.memref_slice %arg7[%dma_wait3A_213, %dma_wait3A_214] : memref<4x80xi32, #tpu.memory_space<vmem>> -> memref<1x80xi32, #tpu.memory_space<vmem>>
      %dma_wait3A_216 = tpu.memref_squeeze %dma_wait3A_215 : memref<1x80xi32, #tpu.memory_space<vmem>> -> memref<80xi32, #tpu.memory_space<vmem>>
      %dma_wait3A_217 = arith.constant 0 : i32
      %dma_wait3A_218 = tpu.memref_slice %arg3[%arg1, %dma_wait3A_212, %dma_wait3A_217] : memref<16x125x80xi32, #tpu.memory_space<hbm>> -> memref<1x1x80xi32, #tpu.memory_space<hbm>>
      %dma_wait3A_219 = tpu.memref_squeeze %dma_wait3A_218 : memref<1x1x80xi32, #tpu.memory_space<hbm>> -> memref<80xi32, #tpu.memory_space<hbm>>
      %dma_wait3A_220 = arith.constant 0 : i32
      %dma_wait3A_221 = tpu.memref_slice %arg7[%dma_wait3A_213, %dma_wait3A_220] : memref<4x80xi32, #tpu.memory_space<vmem>> -> memref<1x80xi32, #tpu.memory_space<vmem>>
      %dma_wait3A_222 = tpu.memref_squeeze %dma_wait3A_221 : memref<1x80xi32, #tpu.memory_space<vmem>> -> memref<80xi32, #tpu.memory_space<vmem>>
      %dma_wait3A_223 = arith.constant 0 : i32
      %dma_wait3A_224 = tpu.memref_slice %arg3[%arg1, %dma_wait3A_212, %dma_wait3A_223] : memref<16x125x80xi32, #tpu.memory_space<hbm>> -> memref<1x1x80xi32, #tpu.memory_space<hbm>>
      %dma_wait3A_225 = tpu.memref_squeeze %dma_wait3A_224 : memref<1x1x80xi32, #tpu.memory_space<hbm>> -> memref<80xi32, #tpu.memory_space<hbm>>
      tpu.wait_dma2 semaphore(%arg22 : memref<!tpu.dma_semaphore, #tpu.memory_space<semaphore_mem>>) src(%dma_wait3A_225 : memref<80xi32, #tpu.memory_space<hbm>>) dst(%dma_wait3A_222 : memref<80xi32, #tpu.memory_space<vmem>>)
      %dma_wait3A_226 = arith.constant 0 : i32
      %dma_wait3A_227 = arith.constant 2 : i32
      %dma_wait3A_228 = arith.constant 0 : i32
      %dma_wait3A_229 = tpu.memref_slice %arg8[%dma_wait3A_227, %dma_wait3A_228] : memref<4x80xi32, #tpu.memory_space<vmem>> -> memref<1x80xi32, #tpu.memory_space<vmem>>
      %dma_wait3A_230 = tpu.memref_squeeze %dma_wait3A_229 : memref<1x80xi32, #tpu.memory_space<vmem>> -> memref<80xi32, #tpu.memory_space<vmem>>
      %dma_wait3A_231 = arith.constant 0 : i32
      %dma_wait3A_232 = tpu.memref_slice %arg4[%arg1, %dma_wait3A_226, %dma_wait3A_231] : memref<16x125x80xi32, #tpu.memory_space<hbm>> -> memref<1x1x80xi32, #tpu.memory_space<hbm>>
      %dma_wait3A_233 = tpu.memref_squeeze %dma_wait3A_232 : memref<1x1x80xi32, #tpu.memory_space<hbm>> -> memref<80xi32, #tpu.memory_space<hbm>>
      %dma_wait3A_234 = arith.constant 0 : i32
      %dma_wait3A_235 = tpu.memref_slice %arg8[%dma_wait3A_227, %dma_wait3A_234] : memref<4x80xi32, #tpu.memory_space<vmem>> -> memref<1x80xi32, #tpu.memory_space<vmem>>
      %dma_wait3A_236 = tpu.memref_squeeze %dma_wait3A_235 : memref<1x80xi32, #tpu.memory_space<vmem>> -> memref<80xi32, #tpu.memory_space<vmem>>
      %dma_wait3A_237 = arith.constant 0 : i32
      %dma_wait3A_238 = tpu.memref_slice %arg4[%arg1, %dma_wait3A_226, %dma_wait3A_237] : memref<16x125x80xi32, #tpu.memory_space<hbm>> -> memref<1x1x80xi32, #tpu.memory_space<hbm>>
      %dma_wait3A_239 = tpu.memref_squeeze %dma_wait3A_238 : memref<1x1x80xi32, #tpu.memory_space<hbm>> -> memref<80xi32, #tpu.memory_space<hbm>>
      tpu.wait_dma2 semaphore(%arg22 : memref<!tpu.dma_semaphore, #tpu.memory_space<semaphore_mem>>) src(%dma_wait3A_239 : memref<80xi32, #tpu.memory_space<hbm>>) dst(%dma_wait3A_236 : memref<80xi32, #tpu.memory_space<vmem>>)
      %add3A_240 = arith.constant 1 : i32
      %add3A_241 = arith.addi %add3A_211, %add3A_240 : i32
      %scan3A_242 = arith.constant 0 : i32
      %scan3A_243 = arith.constant 0 : i32
      %scan3A_244 = arith.constant 5 : i32
      %scan3A_245 = arith.addi %scan3A_243, %scan3A_244 : i32
      %scan3A_246 = arith.constant 1 : i32
      scf.for %scan3A_429 = %scan3A_243 to %scan3A_245 step %scan3A_246  : i32 {
        %mul3A_430 = arith.constant 16 : i32
        %mul3A_431 = arith.muli %scan3A_429, %mul3A_430 : i32
        %get3A = arith.constant 2 : i32
        %get3A_432 = arith.index_cast %get3A : i32 to index
        %get3A_433 = arith.index_cast %mul3A_431 : i32 to index
        %get3A_434 = tpu.vector_load %arg7[%get3A_432, %get3A_433] {strides = array<i32>} : memref<4x80xi32, #tpu.memory_space<vmem>>, vector<1x16xi32>,
        %get3A_435 = vector.shape_cast %get3A_434 : vector<1x16xi32> to vector<16xi32>
        %add3A_436 = arith.addi %get3A_435, %get3A_435 : vector<16xi32>
        %add3A_437 = vector.broadcast %arg0 : i32 to vector<16xi32>
        %add3A_438 = arith.addi %add3A_436, %add3A_437 : vector<16xi32>
        %mul3A_439 = arith.constant 16 : i32
        %mul3A_440 = arith.muli %scan3A_429, %mul3A_439 : i32
        %swap3A = arith.constant 2 : i32
        %swap3A_441 = arith.index_cast %swap3A : i32 to index
        %swap3A_442 = arith.index_cast %mul3A_440 : i32 to index
        %swap3A_443 = tpu.vector_load %arg7[%swap3A_441, %swap3A_442] {strides = array<i32>} : memref<4x80xi32, #tpu.memory_space<vmem>>, vector<1x16xi32>,
        %swap3A_444 = vector.shape_cast %swap3A_443 : vector<1x16xi32> to vector<16xi32>
        %swap3A_445 = vector.shape_cast %add3A_438 : vector<16xi32> to vector<1x16xi32>
        tpu.vector_store %arg7[%swap3A_441, %swap3A_442], %swap3A_445 {strides = array<i32>} : memref<4x80xi32, #tpu.memory_space<vmem>>, vector<1x16xi32>,
        %iota3A = tpu.iota {dimensions = array<i32: 0>} : vector<16xi32>
        %mul3A_446 = arith.constant 10000 : i32
        %mul3A_447 = arith.muli %arg1, %mul3A_446 : i32
        %mul3A_448 = arith.constant 80 : i32
        %mul3A_449 = arith.muli %add3A_241, %mul3A_448 : i32
        %add3A_450 = arith.addi %mul3A_447, %mul3A_449 : i32
        %mul3A_451 = arith.constant 16 : i32
        %mul3A_452 = arith.muli %scan3A_429, %mul3A_451 : i32
        %add3A_453 = arith.addi %add3A_450, %mul3A_452 : i32
        %add3A_454 = vector.broadcast %add3A_453 : i32 to vector<16xi32>
        %add3A_455 = arith.addi %iota3A, %add3A_454 : vector<16xi32>
        %add3A_456 = arith.addi %add3A_455, %add3A_455 : vector<16xi32>
        %add3A_457 = vector.broadcast %arg0 : i32 to vector<16xi32>
        %add3A_458 = arith.addi %add3A_456, %add3A_457 : vector<16xi32>
        %mul3A_459 = arith.constant 16 : i32
        %mul3A_460 = arith.muli %scan3A_429, %mul3A_459 : i32
        %swap3A_461 = arith.constant 2 : i32
        %swap3A_462 = arith.index_cast %swap3A_461 : i32 to index
        %swap3A_463 = arith.index_cast %mul3A_460 : i32 to index
        %swap3A_464 = tpu.vector_load %arg9[%swap3A_462, %swap3A_463] {strides = array<i32>} : memref<4x80xi32, #tpu.memory_space<vmem>>, vector<1x16xi32>,
        %swap3A_465 = vector.shape_cast %swap3A_464 : vector<1x16xi32> to vector<16xi32>
        %swap3A_466 = vector.shape_cast %add3A_458 : vector<16xi32> to vector<1x16xi32>
        tpu.vector_store %arg9[%swap3A_462, %swap3A_463], %swap3A_466 {strides = array<i32>} : memref<4x80xi32, #tpu.memory_space<vmem>>, vector<1x16xi32>,
      }
      %scan3A_247 = arith.constant 5 : i32
      %dma_start3A_248 = arith.constant 2 : i32
      %dma_start3A_249 = arith.constant 0 : i32
      %dma_start3A_250 = tpu.memref_slice %arg7[%dma_start3A_248, %dma_start3A_249] : memref<4x80xi32, #tpu.memory_space<vmem>> -> memref<1x80xi32, #tpu.memory_space<vmem>>
      %dma_start3A_251 = tpu.memref_squeeze %dma_start3A_250 : memref<1x80xi32, #tpu.memory_space<vmem>> -> memref<80xi32, #tpu.memory_space<vmem>>
      %dma_start3A_252 = arith.constant 0 : i32
      %dma_start3A_253 = arith.constant 0 : i32
      %dma_start3A_254 = tpu.memref_slice %arg2[%dma_start3A_252, %dma_start3A_253] : memref<20000x128xf32, #tpu.memory_space<hbm>> -> memref<20000x128xf32, #tpu.memory_space<hbm>>
      tpu.enqueue_indirect_dma source(%dma_start3A_254 : memref<20000x128xf32, #tpu.memory_space<hbm>>) target(%arg10 : memref<80x128xf32, #tpu.memory_space<vmem>>) offsets(%dma_start3A_251 : memref<80xi32, #tpu.memory_space<vmem>>) semaphore(%arg16 : memref<!tpu.dma_semaphore, #tpu.memory_space<semaphore_mem>>)
      %dma_start3A_255 = arith.constant 2 : i32
      %dma_start3A_256 = arith.constant 0 : i32
      %dma_start3A_257 = tpu.memref_slice %arg9[%dma_start3A_255, %dma_start3A_256] : memref<4x80xi32, #tpu.memory_space<vmem>> -> memref<1x80xi32, #tpu.memory_space<vmem>>
      %dma_start3A_258 = tpu.memref_squeeze %dma_start3A_257 : memref<1x80xi32, #tpu.memory_space<vmem>> -> memref<80xi32, #tpu.memory_space<vmem>>
      %dma_start3A_259 = arith.constant 0 : i32
      %dma_start3A_260 = arith.constant 0 : i32
      %dma_start3A_261 = tpu.memref_slice %arg5[%dma_start3A_259, %dma_start3A_260] : memref<320000x128xf32, #tpu.memory_space<hbm>> -> memref<320000x128xf32, #tpu.memory_space<hbm>>
      tpu.enqueue_indirect_dma source(%dma_start3A_261 : memref<320000x128xf32, #tpu.memory_space<hbm>>) target(%arg12 : memref<80x128xf32, #tpu.memory_space<vmem>>) offsets(%dma_start3A_258 : memref<80xi32, #tpu.memory_space<vmem>>) semaphore(%arg18 : memref<!tpu.dma_semaphore, #tpu.memory_space<semaphore_mem>>)
      %add3A_262 = arith.constant 2 : i32
      %add3A_263 = arith.addi %add3A_211, %add3A_262 : i32
      %lt3A_264 = arith.constant 125 : i32
      %lt3A_265 = arith.cmpi slt, %add3A_263, %lt3A_264 : i32
      %convert_element_type3A_266 = arith.extui %lt3A_265 : i1 to i32
      %cond3A_267 = arith.constant 0 : i32
      %cond3A_268 = arith.cmpi ne, %convert_element_type3A_266, %cond3A_267 : i32
      scf.if %cond3A_268 {
        %add3A_429 = arith.constant 2 : i32
        %add3A_430 = arith.addi %add3A_211, %add3A_429 : i32
        %dma_start3A_431 = arith.constant 3 : i32
        %dma_start3A_432 = arith.constant 0 : i32
        %dma_start3A_433 = tpu.memref_slice %arg7[%dma_start3A_431, %dma_start3A_432] : memref<4x80xi32, #tpu.memory_space<vmem>> -> memref<1x80xi32, #tpu.memory_space<vmem>>
        %dma_start3A_434 = tpu.memref_squeeze %dma_start3A_433 : memref<1x80xi32, #tpu.memory_space<vmem>> -> memref<80xi32, #tpu.memory_space<vmem>>
        %dma_start3A_435 = arith.constant 0 : i32
        %dma_start3A_436 = tpu.memref_slice %arg3[%arg1, %add3A_430, %dma_start3A_435] : memref<16x125x80xi32, #tpu.memory_space<hbm>> -> memref<1x1x80xi32, #tpu.memory_space<hbm>>
        %dma_start3A_437 = tpu.memref_squeeze %dma_start3A_436 : memref<1x1x80xi32, #tpu.memory_space<hbm>> -> memref<80xi32, #tpu.memory_space<hbm>>
        %dma_start3A_438 = arith.constant 0 : i32
        %dma_start3A_439 = tpu.memref_slice %arg7[%dma_start3A_431, %dma_start3A_438] : memref<4x80xi32, #tpu.memory_space<vmem>> -> memref<1x80xi32, #tpu.memory_space<vmem>>
        %dma_start3A_440 = tpu.memref_squeeze %dma_start3A_439 : memref<1x80xi32, #tpu.memory_space<vmem>> -> memref<80xi32, #tpu.memory_space<vmem>>
        %dma_start3A_441 = arith.constant 0 : i32
        %dma_start3A_442 = tpu.memref_slice %arg3[%arg1, %add3A_430, %dma_start3A_441] : memref<16x125x80xi32, #tpu.memory_space<hbm>> -> memref<1x1x80xi32, #tpu.memory_space<hbm>>
        %dma_start3A_443 = tpu.memref_squeeze %dma_start3A_442 : memref<1x1x80xi32, #tpu.memory_space<hbm>> -> memref<80xi32, #tpu.memory_space<hbm>>
        tpu.enqueue_dma source(%dma_start3A_443 : memref<80xi32, #tpu.memory_space<hbm>>) target(%dma_start3A_440 : memref<80xi32, #tpu.memory_space<vmem>>) target_semaphore(%arg23 : memref<!tpu.dma_semaphore, #tpu.memory_space<semaphore_mem>>)
        %dma_start3A_444 = arith.constant 3 : i32
        %dma_start3A_445 = arith.constant 0 : i32
        %dma_start3A_446 = tpu.memref_slice %arg8[%dma_start3A_444, %dma_start3A_445] : memref<4x80xi32, #tpu.memory_space<vmem>> -> memref<1x80xi32, #tpu.memory_space<vmem>>
        %dma_start3A_447 = tpu.memref_squeeze %dma_start3A_446 : memref<1x80xi32, #tpu.memory_space<vmem>> -> memref<80xi32, #tpu.memory_space<vmem>>
        %dma_start3A_448 = arith.constant 0 : i32
        %dma_start3A_449 = tpu.memref_slice %arg4[%arg1, %add3A_430, %dma_start3A_448] : memref<16x125x80xi32, #tpu.memory_space<hbm>> -> memref<1x1x80xi32, #tpu.memory_space<hbm>>
        %dma_start3A_450 = tpu.memref_squeeze %dma_start3A_449 : memref<1x1x80xi32, #tpu.memory_space<hbm>> -> memref<80xi32, #tpu.memory_space<hbm>>
        %dma_start3A_451 = arith.constant 0 : i32
        %dma_start3A_452 = tpu.memref_slice %arg8[%dma_start3A_444, %dma_start3A_451] : memref<4x80xi32, #tpu.memory_space<vmem>> -> memref<1x80xi32, #tpu.memory_space<vmem>>
        %dma_start3A_453 = tpu.memref_squeeze %dma_start3A_452 : memref<1x80xi32, #tpu.memory_space<vmem>> -> memref<80xi32, #tpu.memory_space<vmem>>
        %dma_start3A_454 = arith.constant 0 : i32
        %dma_start3A_455 = tpu.memref_slice %arg4[%arg1, %add3A_430, %dma_start3A_454] : memref<16x125x80xi32, #tpu.memory_space<hbm>> -> memref<1x1x80xi32, #tpu.memory_space<hbm>>
        %dma_start3A_456 = tpu.memref_squeeze %dma_start3A_455 : memref<1x1x80xi32, #tpu.memory_space<hbm>> -> memref<80xi32, #tpu.memory_space<hbm>>
        tpu.enqueue_dma source(%dma_start3A_456 : memref<80xi32, #tpu.memory_space<hbm>>) target(%dma_start3A_453 : memref<80xi32, #tpu.memory_space<vmem>>) target_semaphore(%arg23 : memref<!tpu.dma_semaphore, #tpu.memory_space<semaphore_mem>>)
      } else {
      }
      %dma_wait3A_269 = arith.constant 0 : i32
      %dma_wait3A_270 = arith.constant 0 : i32
      %dma_wait3A_271 = tpu.memref_slice %arg2[%dma_wait3A_269, %dma_wait3A_270] : memref<20000x128xf32, #tpu.memory_space<hbm>> -> memref<80x128xf32, #tpu.memory_space<hbm>>
      %dma_wait3A_272 = arith.constant 0 : i32
      %dma_wait3A_273 = arith.constant 0 : i32
      %dma_wait3A_274 = tpu.memref_slice %arg2[%dma_wait3A_272, %dma_wait3A_273] : memref<20000x128xf32, #tpu.memory_space<hbm>> -> memref<80x128xf32, #tpu.memory_space<hbm>>
      tpu.wait_dma2 semaphore(%arg17 : memref<!tpu.dma_semaphore, #tpu.memory_space<semaphore_mem>>) src(%dma_wait3A_274 : memref<80x128xf32, #tpu.memory_space<hbm>>) dst(%arg11 : memref<80x128xf32, #tpu.memory_space<vmem>>)
      %dma_wait3A_275 = arith.constant 0 : i32
      %dma_wait3A_276 = arith.constant 0 : i32
      %dma_wait3A_277 = tpu.memref_slice %arg5[%dma_wait3A_275, %dma_wait3A_276] : memref<320000x128xf32, #tpu.memory_space<hbm>> -> memref<80x128xf32, #tpu.memory_space<hbm>>
      %dma_wait3A_278 = arith.constant 0 : i32
      %dma_wait3A_279 = arith.constant 0 : i32
      %dma_wait3A_280 = tpu.memref_slice %arg5[%dma_wait3A_278, %dma_wait3A_279] : memref<320000x128xf32, #tpu.memory_space<hbm>> -> memref<80x128xf32, #tpu.memory_space<hbm>>
      tpu.wait_dma2 semaphore(%arg19 : memref<!tpu.dma_semaphore, #tpu.memory_space<semaphore_mem>>) src(%dma_wait3A_280 : memref<80x128xf32, #tpu.memory_space<hbm>>) dst(%arg13 : memref<80x128xf32, #tpu.memory_space<vmem>>)
      %run_scoped3A_281 = arith.constant 1 : i32
      "tpu.region"() ({
        %run_scoped3A_429 = tpu.sem_alloc : memref<!tpu.dma_semaphore, #tpu.memory_space<semaphore_mem>>
        %dma_start3A_430 = arith.constant 0 : i32
        %dma_start3A_431 = tpu.memref_slice %arg8[%run_scoped3A_281, %dma_start3A_430] : memref<4x80xi32, #tpu.memory_space<vmem>> -> memref<1x80xi32, #tpu.memory_space<vmem>>
        %dma_start3A_432 = tpu.memref_squeeze %dma_start3A_431 : memref<1x80xi32, #tpu.memory_space<vmem>> -> memref<80xi32, #tpu.memory_space<vmem>>
        %dma_start3A_433 = arith.constant 0 : i32
        %dma_start3A_434 = arith.constant 0 : i32
        %dma_start3A_435 = tpu.memref_slice %arg15[%dma_start3A_433, %dma_start3A_434] : memref<10000x128xf32, #tpu.memory_space<vmem_shared>> -> memref<10000x128xf32, #tpu.memory_space<vmem_shared>>
        tpu.enqueue_indirect_dma source(%arg11 : memref<80x128xf32, #tpu.memory_space<vmem>>) target(%dma_start3A_435 : memref<10000x128xf32, #tpu.memory_space<vmem_shared>>) offsets(%dma_start3A_432 : memref<80xi32, #tpu.memory_space<vmem>>) semaphore(%run_scoped3A_429 : memref<!tpu.dma_semaphore, #tpu.memory_space<semaphore_mem>>) {add = true}
        %dma_wait3A_436 = arith.constant 0 : i32
        %dma_wait3A_437 = tpu.memref_slice %arg8[%run_scoped3A_281, %dma_wait3A_436] : memref<4x80xi32, #tpu.memory_space<vmem>> -> memref<1x80xi32, #tpu.memory_space<vmem>>
        %dma_wait3A_438 = tpu.memref_squeeze %dma_wait3A_437 : memref<1x80xi32, #tpu.memory_space<vmem>> -> memref<80xi32, #tpu.memory_space<vmem>>
        %dma_wait3A_439 = arith.constant 0 : i32
        %dma_wait3A_440 = arith.constant 0 : i32
        %dma_wait3A_441 = tpu.memref_slice %arg15[%dma_wait3A_439, %dma_wait3A_440] : memref<10000x128xf32, #tpu.memory_space<vmem_shared>> -> memref<10000x128xf32, #tpu.memory_space<vmem_shared>>
        tpu.wait_indirect_dma semaphore(%run_scoped3A_429 : memref<!tpu.dma_semaphore, #tpu.memory_space<semaphore_mem>>) src(%arg11 : memref<80x128xf32, #tpu.memory_space<vmem>>) dst(%dma_wait3A_441 : memref<10000x128xf32, #tpu.memory_space<vmem_shared>>)
        tpu.yield
      }) : () -> ()
      %run_scoped3A_282 = arith.constant 1 : i32
      "tpu.region"() ({
        %run_scoped3A_429 = tpu.sem_alloc : memref<!tpu.dma_semaphore, #tpu.memory_space<semaphore_mem>>
        %dma_start3A_430 = arith.constant 0 : i32
        %dma_start3A_431 = tpu.memref_slice %arg8[%run_scoped3A_282, %dma_start3A_430] : memref<4x80xi32, #tpu.memory_space<vmem>> -> memref<1x80xi32, #tpu.memory_space<vmem>>
        %dma_start3A_432 = tpu.memref_squeeze %dma_start3A_431 : memref<1x80xi32, #tpu.memory_space<vmem>> -> memref<80xi32, #tpu.memory_space<vmem>>
        %dma_start3A_433 = arith.constant 0 : i32
        %dma_start3A_434 = arith.constant 0 : i32
        %dma_start3A_435 = tpu.memref_slice %arg15[%dma_start3A_433, %dma_start3A_434] : memref<10000x128xf32, #tpu.memory_space<vmem_shared>> -> memref<10000x128xf32, #tpu.memory_space<vmem_shared>>
        tpu.enqueue_indirect_dma source(%arg13 : memref<80x128xf32, #tpu.memory_space<vmem>>) target(%dma_start3A_435 : memref<10000x128xf32, #tpu.memory_space<vmem_shared>>) offsets(%dma_start3A_432 : memref<80xi32, #tpu.memory_space<vmem>>) semaphore(%run_scoped3A_429 : memref<!tpu.dma_semaphore, #tpu.memory_space<semaphore_mem>>) {add = true}
        %dma_wait3A_436 = arith.constant 0 : i32
        %dma_wait3A_437 = tpu.memref_slice %arg8[%run_scoped3A_282, %dma_wait3A_436] : memref<4x80xi32, #tpu.memory_space<vmem>> -> memref<1x80xi32, #tpu.memory_space<vmem>>
        %dma_wait3A_438 = tpu.memref_squeeze %dma_wait3A_437 : memref<1x80xi32, #tpu.memory_space<vmem>> -> memref<80xi32, #tpu.memory_space<vmem>>
        %dma_wait3A_439 = arith.constant 0 : i32
        %dma_wait3A_440 = arith.constant 0 : i32
        %dma_wait3A_441 = tpu.memref_slice %arg15[%dma_wait3A_439, %dma_wait3A_440] : memref<10000x128xf32, #tpu.memory_space<vmem_shared>> -> memref<10000x128xf32, #tpu.memory_space<vmem_shared>>
        tpu.wait_indirect_dma semaphore(%run_scoped3A_429 : memref<!tpu.dma_semaphore, #tpu.memory_space<semaphore_mem>>) src(%arg13 : memref<80x128xf32, #tpu.memory_space<vmem>>) dst(%dma_wait3A_441 : memref<10000x128xf32, #tpu.memory_space<vmem_shared>>)
        tpu.yield
      }) : () -> ()
      %add3A_283 = arith.constant 2 : i32
      %add3A_284 = arith.addi %mul3A_140, %add3A_283 : i32
      %dma_wait3A_285 = arith.constant 0 : i32
      %dma_wait3A_286 = arith.constant 3 : i32
      %dma_wait3A_287 = arith.constant 0 : i32
      %dma_wait3A_288 = tpu.memref_slice %arg7[%dma_wait3A_286, %dma_wait3A_287] : memref<4x80xi32, #tpu.memory_space<vmem>> -> memref<1x80xi32, #tpu.memory_space<vmem>>
      %dma_wait3A_289 = tpu.memref_squeeze %dma_wait3A_288 : memref<1x80xi32, #tpu.memory_space<vmem>> -> memref<80xi32, #tpu.memory_space<vmem>>
      %dma_wait3A_290 = arith.constant 0 : i32
      %dma_wait3A_291 = tpu.memref_slice %arg3[%arg1, %dma_wait3A_285, %dma_wait3A_290] : memref<16x125x80xi32, #tpu.memory_space<hbm>> -> memref<1x1x80xi32, #tpu.memory_space<hbm>>
      %dma_wait3A_292 = tpu.memref_squeeze %dma_wait3A_291 : memref<1x1x80xi32, #tpu.memory_space<hbm>> -> memref<80xi32, #tpu.memory_space<hbm>>
      %dma_wait3A_293 = arith.constant 0 : i32
      %dma_wait3A_294 = tpu.memref_slice %arg7[%dma_wait3A_286, %dma_wait3A_293] : memref<4x80xi32, #tpu.memory_space<vmem>> -> memref<1x80xi32, #tpu.memory_space<vmem>>
      %dma_wait3A_295 = tpu.memref_squeeze %dma_wait3A_294 : memref<1x80xi32, #tpu.memory_space<vmem>> -> memref<80xi32, #tpu.memory_space<vmem>>
      %dma_wait3A_296 = arith.constant 0 : i32
      %dma_wait3A_297 = tpu.memref_slice %arg3[%arg1, %dma_wait3A_285, %dma_wait3A_296] : memref<16x125x80xi32, #tpu.memory_space<hbm>> -> memref<1x1x80xi32, #tpu.memory_space<hbm>>
      %dma_wait3A_298 = tpu.memref_squeeze %dma_wait3A_297 : memref<1x1x80xi32, #tpu.memory_space<hbm>> -> memref<80xi32, #tpu.memory_space<hbm>>
      tpu.wait_dma2 semaphore(%arg23 : memref<!tpu.dma_semaphore, #tpu.memory_space<semaphore_mem>>) src(%dma_wait3A_298 : memref<80xi32, #tpu.memory_space<hbm>>) dst(%dma_wait3A_295 : memref<80xi32, #tpu.memory_space<vmem>>)
      %dma_wait3A_299 = arith.constant 0 : i32
      %dma_wait3A_300 = arith.constant 3 : i32
      %dma_wait3A_301 = arith.constant 0 : i32
      %dma_wait3A_302 = tpu.memref_slice %arg8[%dma_wait3A_300, %dma_wait3A_301] : memref<4x80xi32, #tpu.memory_space<vmem>> -> memref<1x80xi32, #tpu.memory_space<vmem>>
      %dma_wait3A_303 = tpu.memref_squeeze %dma_wait3A_302 : memref<1x80xi32, #tpu.memory_space<vmem>> -> memref<80xi32, #tpu.memory_space<vmem>>
      %dma_wait3A_304 = arith.constant 0 : i32
      %dma_wait3A_305 = tpu.memref_slice %arg4[%arg1, %dma_wait3A_299, %dma_wait3A_304] : memref<16x125x80xi32, #tpu.memory_space<hbm>> -> memref<1x1x80xi32, #tpu.memory_space<hbm>>
      %dma_wait3A_306 = tpu.memref_squeeze %dma_wait3A_305 : memref<1x1x80xi32, #tpu.memory_space<hbm>> -> memref<80xi32, #tpu.memory_space<hbm>>
      %dma_wait3A_307 = arith.constant 0 : i32
      %dma_wait3A_308 = tpu.memref_slice %arg8[%dma_wait3A_300, %dma_wait3A_307] : memref<4x80xi32, #tpu.memory_space<vmem>> -> memref<1x80xi32, #tpu.memory_space<vmem>>
      %dma_wait3A_309 = tpu.memref_squeeze %dma_wait3A_308 : memref<1x80xi32, #tpu.memory_space<vmem>> -> memref<80xi32, #tpu.memory_space<vmem>>
      %dma_wait3A_310 = arith.constant 0 : i32
      %dma_wait3A_311 = tpu.memref_slice %arg4[%arg1, %dma_wait3A_299, %dma_wait3A_310] : memref<16x125x80xi32, #tpu.memory_space<hbm>> -> memref<1x1x80xi32, #tpu.memory_space<hbm>>
      %dma_wait3A_312 = tpu.memref_squeeze %dma_wait3A_311 : memref<1x1x80xi32, #tpu.memory_space<hbm>> -> memref<80xi32, #tpu.memory_space<hbm>>
      tpu.wait_dma2 semaphore(%arg23 : memref<!tpu.dma_semaphore, #tpu.memory_space<semaphore_mem>>) src(%dma_wait3A_312 : memref<80xi32, #tpu.memory_space<hbm>>) dst(%dma_wait3A_309 : memref<80xi32, #tpu.memory_space<vmem>>)
      %add3A_313 = arith.constant 1 : i32
      %add3A_314 = arith.addi %add3A_284, %add3A_313 : i32
      %scan3A_315 = arith.constant 0 : i32
      %scan3A_316 = arith.constant 0 : i32
      %scan3A_317 = arith.constant 5 : i32
      %scan3A_318 = arith.addi %scan3A_316, %scan3A_317 : i32
      %scan3A_319 = arith.constant 1 : i32
      scf.for %scan3A_429 = %scan3A_316 to %scan3A_318 step %scan3A_319  : i32 {
        %mul3A_430 = arith.constant 16 : i32
        %mul3A_431 = arith.muli %scan3A_429, %mul3A_430 : i32
        %get3A = arith.constant 3 : i32
        %get3A_432 = arith.index_cast %get3A : i32 to index
        %get3A_433 = arith.index_cast %mul3A_431 : i32 to index
        %get3A_434 = tpu.vector_load %arg7[%get3A_432, %get3A_433] {strides = array<i32>} : memref<4x80xi32, #tpu.memory_space<vmem>>, vector<1x16xi32>,
        %get3A_435 = vector.shape_cast %get3A_434 : vector<1x16xi32> to vector<16xi32>
        %add3A_436 = arith.addi %get3A_435, %get3A_435 : vector<16xi32>
        %add3A_437 = vector.broadcast %arg0 : i32 to vector<16xi32>
        %add3A_438 = arith.addi %add3A_436, %add3A_437 : vector<16xi32>
        %mul3A_439 = arith.constant 16 : i32
        %mul3A_440 = arith.muli %scan3A_429, %mul3A_439 : i32
        %swap3A = arith.constant 3 : i32
        %swap3A_441 = arith.index_cast %swap3A : i32 to index
        %swap3A_442 = arith.index_cast %mul3A_440 : i32 to index
        %swap3A_443 = tpu.vector_load %arg7[%swap3A_441, %swap3A_442] {strides = array<i32>} : memref<4x80xi32, #tpu.memory_space<vmem>>, vector<1x16xi32>,
        %swap3A_444 = vector.shape_cast %swap3A_443 : vector<1x16xi32> to vector<16xi32>
        %swap3A_445 = vector.shape_cast %add3A_438 : vector<16xi32> to vector<1x16xi32>
        tpu.vector_store %arg7[%swap3A_441, %swap3A_442], %swap3A_445 {strides = array<i32>} : memref<4x80xi32, #tpu.memory_space<vmem>>, vector<1x16xi32>,
        %iota3A = tpu.iota {dimensions = array<i32: 0>} : vector<16xi32>
        %mul3A_446 = arith.constant 10000 : i32
        %mul3A_447 = arith.muli %arg1, %mul3A_446 : i32
        %mul3A_448 = arith.constant 80 : i32
        %mul3A_449 = arith.muli %add3A_314, %mul3A_448 : i32
        %add3A_450 = arith.addi %mul3A_447, %mul3A_449 : i32
        %mul3A_451 = arith.constant 16 : i32
        %mul3A_452 = arith.muli %scan3A_429, %mul3A_451 : i32
        %add3A_453 = arith.addi %add3A_450, %mul3A_452 : i32
        %add3A_454 = vector.broadcast %add3A_453 : i32 to vector<16xi32>
        %add3A_455 = arith.addi %iota3A, %add3A_454 : vector<16xi32>
        %add3A_456 = arith.addi %add3A_455, %add3A_455 : vector<16xi32>
        %add3A_457 = vector.broadcast %arg0 : i32 to vector<16xi32>
        %add3A_458 = arith.addi %add3A_456, %add3A_457 : vector<16xi32>
        %mul3A_459 = arith.constant 16 : i32
        %mul3A_460 = arith.muli %scan3A_429, %mul3A_459 : i32
        %swap3A_461 = arith.constant 3 : i32
        %swap3A_462 = arith.index_cast %swap3A_461 : i32 to index
        %swap3A_463 = arith.index_cast %mul3A_460 : i32 to index
        %swap3A_464 = tpu.vector_load %arg9[%swap3A_462, %swap3A_463] {strides = array<i32>} : memref<4x80xi32, #tpu.memory_space<vmem>>, vector<1x16xi32>,
        %swap3A_465 = vector.shape_cast %swap3A_464 : vector<1x16xi32> to vector<16xi32>
        %swap3A_466 = vector.shape_cast %add3A_458 : vector<16xi32> to vector<1x16xi32>
        tpu.vector_store %arg9[%swap3A_462, %swap3A_463], %swap3A_466 {strides = array<i32>} : memref<4x80xi32, #tpu.memory_space<vmem>>, vector<1x16xi32>,
      }
      %scan3A_320 = arith.constant 5 : i32
      %dma_start3A_321 = arith.constant 3 : i32
      %dma_start3A_322 = arith.constant 0 : i32
      %dma_start3A_323 = tpu.memref_slice %arg7[%dma_start3A_321, %dma_start3A_322] : memref<4x80xi32, #tpu.memory_space<vmem>> -> memref<1x80xi32, #tpu.memory_space<vmem>>
      %dma_start3A_324 = tpu.memref_squeeze %dma_start3A_323 : memref<1x80xi32, #tpu.memory_space<vmem>> -> memref<80xi32, #tpu.memory_space<vmem>>
      %dma_start3A_325 = arith.constant 0 : i32
      %dma_start3A_326 = arith.constant 0 : i32
      %dma_start3A_327 = tpu.memref_slice %arg2[%dma_start3A_325, %dma_start3A_326] : memref<20000x128xf32, #tpu.memory_space<hbm>> -> memref<20000x128xf32, #tpu.memory_space<hbm>>
      tpu.enqueue_indirect_dma source(%dma_start3A_327 : memref<20000x128xf32, #tpu.memory_space<hbm>>) target(%arg11 : memref<80x128xf32, #tpu.memory_space<vmem>>) offsets(%dma_start3A_324 : memref<80xi32, #tpu.memory_space<vmem>>) semaphore(%arg17 : memref<!tpu.dma_semaphore, #tpu.memory_space<semaphore_mem>>)
      %dma_start3A_328 = arith.constant 3 : i32
      %dma_start3A_329 = arith.constant 0 : i32
      %dma_start3A_330 = tpu.memref_slice %arg9[%dma_start3A_328, %dma_start3A_329] : memref<4x80xi32, #tpu.memory_space<vmem>> -> memref<1x80xi32, #tpu.memory_space<vmem>>
      %dma_start3A_331 = tpu.memref_squeeze %dma_start3A_330 : memref<1x80xi32, #tpu.memory_space<vmem>> -> memref<80xi32, #tpu.memory_space<vmem>>
      %dma_start3A_332 = arith.constant 0 : i32
      %dma_start3A_333 = arith.constant 0 : i32
      %dma_start3A_334 = tpu.memref_slice %arg5[%dma_start3A_332, %dma_start3A_333] : memref<320000x128xf32, #tpu.memory_space<hbm>> -> memref<320000x128xf32, #tpu.memory_space<hbm>>
      tpu.enqueue_indirect_dma source(%dma_start3A_334 : memref<320000x128xf32, #tpu.memory_space<hbm>>) target(%arg13 : memref<80x128xf32, #tpu.memory_space<vmem>>) offsets(%dma_start3A_331 : memref<80xi32, #tpu.memory_space<vmem>>) semaphore(%arg19 : memref<!tpu.dma_semaphore, #tpu.memory_space<semaphore_mem>>)
      %add3A_335 = arith.constant 2 : i32
      %add3A_336 = arith.addi %add3A_284, %add3A_335 : i32
      %lt3A_337 = arith.constant 125 : i32
      %lt3A_338 = arith.cmpi slt, %add3A_336, %lt3A_337 : i32
      %convert_element_type3A_339 = arith.extui %lt3A_338 : i1 to i32
      %cond3A_340 = arith.constant 0 : i32
      %cond3A_341 = arith.cmpi ne, %convert_element_type3A_339, %cond3A_340 : i32
      scf.if %cond3A_341 {
        %add3A_429 = arith.constant 2 : i32
        %add3A_430 = arith.addi %add3A_284, %add3A_429 : i32
        %dma_start3A_431 = arith.constant 0 : i32
        %dma_start3A_432 = arith.constant 0 : i32
        %dma_start3A_433 = tpu.memref_slice %arg7[%dma_start3A_431, %dma_start3A_432] : memref<4x80xi32, #tpu.memory_space<vmem>> -> memref<1x80xi32, #tpu.memory_space<vmem>>
        %dma_start3A_434 = tpu.memref_squeeze %dma_start3A_433 : memref<1x80xi32, #tpu.memory_space<vmem>> -> memref<80xi32, #tpu.memory_space<vmem>>
        %dma_start3A_435 = arith.constant 0 : i32
        %dma_start3A_436 = tpu.memref_slice %arg3[%arg1, %add3A_430, %dma_start3A_435] : memref<16x125x80xi32, #tpu.memory_space<hbm>> -> memref<1x1x80xi32, #tpu.memory_space<hbm>>
        %dma_start3A_437 = tpu.memref_squeeze %dma_start3A_436 : memref<1x1x80xi32, #tpu.memory_space<hbm>> -> memref<80xi32, #tpu.memory_space<hbm>>
        %dma_start3A_438 = arith.constant 0 : i32
        %dma_start3A_439 = tpu.memref_slice %arg7[%dma_start3A_431, %dma_start3A_438] : memref<4x80xi32, #tpu.memory_space<vmem>> -> memref<1x80xi32, #tpu.memory_space<vmem>>
        %dma_start3A_440 = tpu.memref_squeeze %dma_start3A_439 : memref<1x80xi32, #tpu.memory_space<vmem>> -> memref<80xi32, #tpu.memory_space<vmem>>
        %dma_start3A_441 = arith.constant 0 : i32
        %dma_start3A_442 = tpu.memref_slice %arg3[%arg1, %add3A_430, %dma_start3A_441] : memref<16x125x80xi32, #tpu.memory_space<hbm>> -> memref<1x1x80xi32, #tpu.memory_space<hbm>>
        %dma_start3A_443 = tpu.memref_squeeze %dma_start3A_442 : memref<1x1x80xi32, #tpu.memory_space<hbm>> -> memref<80xi32, #tpu.memory_space<hbm>>
        tpu.enqueue_dma source(%dma_start3A_443 : memref<80xi32, #tpu.memory_space<hbm>>) target(%dma_start3A_440 : memref<80xi32, #tpu.memory_space<vmem>>) target_semaphore(%arg20 : memref<!tpu.dma_semaphore, #tpu.memory_space<semaphore_mem>>)
        %dma_start3A_444 = arith.constant 0 : i32
        %dma_start3A_445 = arith.constant 0 : i32
        %dma_start3A_446 = tpu.memref_slice %arg8[%dma_start3A_444, %dma_start3A_445] : memref<4x80xi32, #tpu.memory_space<vmem>> -> memref<1x80xi32, #tpu.memory_space<vmem>>
        %dma_start3A_447 = tpu.memref_squeeze %dma_start3A_446 : memref<1x80xi32, #tpu.memory_space<vmem>> -> memref<80xi32, #tpu.memory_space<vmem>>
        %dma_start3A_448 = arith.constant 0 : i32
        %dma_start3A_449 = tpu.memref_slice %arg4[%arg1, %add3A_430, %dma_start3A_448] : memref<16x125x80xi32, #tpu.memory_space<hbm>> -> memref<1x1x80xi32, #tpu.memory_space<hbm>>
        %dma_start3A_450 = tpu.memref_squeeze %dma_start3A_449 : memref<1x1x80xi32, #tpu.memory_space<hbm>> -> memref<80xi32, #tpu.memory_space<hbm>>
        %dma_start3A_451 = arith.constant 0 : i32
        %dma_start3A_452 = tpu.memref_slice %arg8[%dma_start3A_444, %dma_start3A_451] : memref<4x80xi32, #tpu.memory_space<vmem>> -> memref<1x80xi32, #tpu.memory_space<vmem>>
        %dma_start3A_453 = tpu.memref_squeeze %dma_start3A_452 : memref<1x80xi32, #tpu.memory_space<vmem>> -> memref<80xi32, #tpu.memory_space<vmem>>
        %dma_start3A_454 = arith.constant 0 : i32
        %dma_start3A_455 = tpu.memref_slice %arg4[%arg1, %add3A_430, %dma_start3A_454] : memref<16x125x80xi32, #tpu.memory_space<hbm>> -> memref<1x1x80xi32, #tpu.memory_space<hbm>>
        %dma_start3A_456 = tpu.memref_squeeze %dma_start3A_455 : memref<1x1x80xi32, #tpu.memory_space<hbm>> -> memref<80xi32, #tpu.memory_space<hbm>>
        tpu.enqueue_dma source(%dma_start3A_456 : memref<80xi32, #tpu.memory_space<hbm>>) target(%dma_start3A_453 : memref<80xi32, #tpu.memory_space<vmem>>) target_semaphore(%arg20 : memref<!tpu.dma_semaphore, #tpu.memory_space<semaphore_mem>>)
      } else {
      }
      %dma_wait3A_342 = arith.constant 0 : i32
      %dma_wait3A_343 = arith.constant 0 : i32
      %dma_wait3A_344 = tpu.memref_slice %arg2[%dma_wait3A_342, %dma_wait3A_343] : memref<20000x128xf32, #tpu.memory_space<hbm>> -> memref<80x128xf32, #tpu.memory_space<hbm>>
      %dma_wait3A_345 = arith.constant 0 : i32
      %dma_wait3A_346 = arith.constant 0 : i32
      %dma_wait3A_347 = tpu.memref_slice %arg2[%dma_wait3A_345, %dma_wait3A_346] : memref<20000x128xf32, #tpu.memory_space<hbm>> -> memref<80x128xf32, #tpu.memory_space<hbm>>
      tpu.wait_dma2 semaphore(%arg16 : memref<!tpu.dma_semaphore, #tpu.memory_space<semaphore_mem>>) src(%dma_wait3A_347 : memref<80x128xf32, #tpu.memory_space<hbm>>) dst(%arg10 : memref<80x128xf32, #tpu.memory_space<vmem>>)
      %dma_wait3A_348 = arith.constant 0 : i32
      %dma_wait3A_349 = arith.constant 0 : i32
      %dma_wait3A_350 = tpu.memref_slice %arg5[%dma_wait3A_348, %dma_wait3A_349] : memref<320000x128xf32, #tpu.memory_space<hbm>> -> memref<80x128xf32, #tpu.memory_space<hbm>>
      %dma_wait3A_351 = arith.constant 0 : i32
      %dma_wait3A_352 = arith.constant 0 : i32
      %dma_wait3A_353 = tpu.memref_slice %arg5[%dma_wait3A_351, %dma_wait3A_352] : memref<320000x128xf32, #tpu.memory_space<hbm>> -> memref<80x128xf32, #tpu.memory_space<hbm>>
      tpu.wait_dma2 semaphore(%arg18 : memref<!tpu.dma_semaphore, #tpu.memory_space<semaphore_mem>>) src(%dma_wait3A_353 : memref<80x128xf32, #tpu.memory_space<hbm>>) dst(%arg12 : memref<80x128xf32, #tpu.memory_space<vmem>>)
      %run_scoped3A_354 = arith.constant 2 : i32
      "tpu.region"() ({
        %run_scoped3A_429 = tpu.sem_alloc : memref<!tpu.dma_semaphore, #tpu.memory_space<semaphore_mem>>
        %dma_start3A_430 = arith.constant 0 : i32
        %dma_start3A_431 = tpu.memref_slice %arg8[%run_scoped3A_354, %dma_start3A_430] : memref<4x80xi32, #tpu.memory_space<vmem>> -> memref<1x80xi32, #tpu.memory_space<vmem>>
        %dma_start3A_432 = tpu.memref_squeeze %dma_start3A_431 : memref<1x80xi32, #tpu.memory_space<vmem>> -> memref<80xi32, #tpu.memory_space<vmem>>
        %dma_start3A_433 = arith.constant 0 : i32
        %dma_start3A_434 = arith.constant 0 : i32
        %dma_start3A_435 = tpu.memref_slice %arg15[%dma_start3A_433, %dma_start3A_434] : memref<10000x128xf32, #tpu.memory_space<vmem_shared>> -> memref<10000x128xf32, #tpu.memory_space<vmem_shared>>
        tpu.enqueue_indirect_dma source(%arg10 : memref<80x128xf32, #tpu.memory_space<vmem>>) target(%dma_start3A_435 : memref<10000x128xf32, #tpu.memory_space<vmem_shared>>) offsets(%dma_start3A_432 : memref<80xi32, #tpu.memory_space<vmem>>) semaphore(%run_scoped3A_429 : memref<!tpu.dma_semaphore, #tpu.memory_space<semaphore_mem>>) {add = true}
        %dma_wait3A_436 = arith.constant 0 : i32
        %dma_wait3A_437 = tpu.memref_slice %arg8[%run_scoped3A_354, %dma_wait3A_436] : memref<4x80xi32, #tpu.memory_space<vmem>> -> memref<1x80xi32, #tpu.memory_space<vmem>>
        %dma_wait3A_438 = tpu.memref_squeeze %dma_wait3A_437 : memref<1x80xi32, #tpu.memory_space<vmem>> -> memref<80xi32, #tpu.memory_space<vmem>>
        %dma_wait3A_439 = arith.constant 0 : i32
        %dma_wait3A_440 = arith.constant 0 : i32
        %dma_wait3A_441 = tpu.memref_slice %arg15[%dma_wait3A_439, %dma_wait3A_440] : memref<10000x128xf32, #tpu.memory_space<vmem_shared>> -> memref<10000x128xf32, #tpu.memory_space<vmem_shared>>
        tpu.wait_indirect_dma semaphore(%run_scoped3A_429 : memref<!tpu.dma_semaphore, #tpu.memory_space<semaphore_mem>>) src(%arg10 : memref<80x128xf32, #tpu.memory_space<vmem>>) dst(%dma_wait3A_441 : memref<10000x128xf32, #tpu.memory_space<vmem_shared>>)
        tpu.yield
      }) : () -> ()
      %run_scoped3A_355 = arith.constant 2 : i32
      "tpu.region"() ({
        %run_scoped3A_429 = tpu.sem_alloc : memref<!tpu.dma_semaphore, #tpu.memory_space<semaphore_mem>>
        %dma_start3A_430 = arith.constant 0 : i32
        %dma_start3A_431 = tpu.memref_slice %arg8[%run_scoped3A_355, %dma_start3A_430] : memref<4x80xi32, #tpu.memory_space<vmem>> -> memref<1x80xi32, #tpu.memory_space<vmem>>
        %dma_start3A_432 = tpu.memref_squeeze %dma_start3A_431 : memref<1x80xi32, #tpu.memory_space<vmem>> -> memref<80xi32, #tpu.memory_space<vmem>>
        %dma_start3A_433 = arith.constant 0 : i32
        %dma_start3A_434 = arith.constant 0 : i32
        %dma_start3A_435 = tpu.memref_slice %arg15[%dma_start3A_433, %dma_start3A_434] : memref<10000x128xf32, #tpu.memory_space<vmem_shared>> -> memref<10000x128xf32, #tpu.memory_space<vmem_shared>>
        tpu.enqueue_indirect_dma source(%arg12 : memref<80x128xf32, #tpu.memory_space<vmem>>) target(%dma_start3A_435 : memref<10000x128xf32, #tpu.memory_space<vmem_shared>>) offsets(%dma_start3A_432 : memref<80xi32, #tpu.memory_space<vmem>>) semaphore(%run_scoped3A_429 : memref<!tpu.dma_semaphore, #tpu.memory_space<semaphore_mem>>) {add = true}
        %dma_wait3A_436 = arith.constant 0 : i32
        %dma_wait3A_437 = tpu.memref_slice %arg8[%run_scoped3A_355, %dma_wait3A_436] : memref<4x80xi32, #tpu.memory_space<vmem>> -> memref<1x80xi32, #tpu.memory_space<vmem>>
        %dma_wait3A_438 = tpu.memref_squeeze %dma_wait3A_437 : memref<1x80xi32, #tpu.memory_space<vmem>> -> memref<80xi32, #tpu.memory_space<vmem>>
        %dma_wait3A_439 = arith.constant 0 : i32
        %dma_wait3A_440 = arith.constant 0 : i32
        %dma_wait3A_441 = tpu.memref_slice %arg15[%dma_wait3A_439, %dma_wait3A_440] : memref<10000x128xf32, #tpu.memory_space<vmem_shared>> -> memref<10000x128xf32, #tpu.memory_space<vmem_shared>>
        tpu.wait_indirect_dma semaphore(%run_scoped3A_429 : memref<!tpu.dma_semaphore, #tpu.memory_space<semaphore_mem>>) src(%arg12 : memref<80x128xf32, #tpu.memory_space<vmem>>) dst(%dma_wait3A_441 : memref<10000x128xf32, #tpu.memory_space<vmem_shared>>)
        tpu.yield
      }) : () -> ()
      %add3A_356 = arith.constant 3 : i32
      %add3A_357 = arith.addi %mul3A_140, %add3A_356 : i32
      %dma_wait3A_358 = arith.constant 0 : i32
      %dma_wait3A_359 = arith.constant 0 : i32
      %dma_wait3A_360 = arith.constant 0 : i32
      %dma_wait3A_361 = tpu.memref_slice %arg7[%dma_wait3A_359, %dma_wait3A_360] : memref<4x80xi32, #tpu.memory_space<vmem>> -> memref<1x80xi32, #tpu.memory_space<vmem>>
      %dma_wait3A_362 = tpu.memref_squeeze %dma_wait3A_361 : memref<1x80xi32, #tpu.memory_space<vmem>> -> memref<80xi32, #tpu.memory_space<vmem>>
      %dma_wait3A_363 = arith.constant 0 : i32
      %dma_wait3A_364 = tpu.memref_slice %arg3[%arg1, %dma_wait3A_358, %dma_wait3A_363] : memref<16x125x80xi32, #tpu.memory_space<hbm>> -> memref<1x1x80xi32, #tpu.memory_space<hbm>>
      %dma_wait3A_365 = tpu.memref_squeeze %dma_wait3A_364 : memref<1x1x80xi32, #tpu.memory_space<hbm>> -> memref<80xi32, #tpu.memory_space<hbm>>
      %dma_wait3A_366 = arith.constant 0 : i32
      %dma_wait3A_367 = tpu.memref_slice %arg7[%dma_wait3A_359, %dma_wait3A_366] : memref<4x80xi32, #tpu.memory_space<vmem>> -> memref<1x80xi32, #tpu.memory_space<vmem>>
      %dma_wait3A_368 = tpu.memref_squeeze %dma_wait3A_367 : memref<1x80xi32, #tpu.memory_space<vmem>> -> memref<80xi32, #tpu.memory_space<vmem>>
      %dma_wait3A_369 = arith.constant 0 : i32
      %dma_wait3A_370 = tpu.memref_slice %arg3[%arg1, %dma_wait3A_358, %dma_wait3A_369] : memref<16x125x80xi32, #tpu.memory_space<hbm>> -> memref<1x1x80xi32, #tpu.memory_space<hbm>>
      %dma_wait3A_371 = tpu.memref_squeeze %dma_wait3A_370 : memref<1x1x80xi32, #tpu.memory_space<hbm>> -> memref<80xi32, #tpu.memory_space<hbm>>
      tpu.wait_dma2 semaphore(%arg20 : memref<!tpu.dma_semaphore, #tpu.memory_space<semaphore_mem>>) src(%dma_wait3A_371 : memref<80xi32, #tpu.memory_space<hbm>>) dst(%dma_wait3A_368 : memref<80xi32, #tpu.memory_space<vmem>>)
      %dma_wait3A_372 = arith.constant 0 : i32
      %dma_wait3A_373 = arith.constant 0 : i32
      %dma_wait3A_374 = arith.constant 0 : i32
      %dma_wait3A_375 = tpu.memref_slice %arg8[%dma_wait3A_373, %dma_wait3A_374] : memref<4x80xi32, #tpu.memory_space<vmem>> -> memref<1x80xi32, #tpu.memory_space<vmem>>
      %dma_wait3A_376 = tpu.memref_squeeze %dma_wait3A_375 : memref<1x80xi32, #tpu.memory_space<vmem>> -> memref<80xi32, #tpu.memory_space<vmem>>
      %dma_wait3A_377 = arith.constant 0 : i32
      %dma_wait3A_378 = tpu.memref_slice %arg4[%arg1, %dma_wait3A_372, %dma_wait3A_377] : memref<16x125x80xi32, #tpu.memory_space<hbm>> -> memref<1x1x80xi32, #tpu.memory_space<hbm>>
      %dma_wait3A_379 = tpu.memref_squeeze %dma_wait3A_378 : memref<1x1x80xi32, #tpu.memory_space<hbm>> -> memref<80xi32, #tpu.memory_space<hbm>>
      %dma_wait3A_380 = arith.constant 0 : i32
      %dma_wait3A_381 = tpu.memref_slice %arg8[%dma_wait3A_373, %dma_wait3A_380] : memref<4x80xi32, #tpu.memory_space<vmem>> -> memref<1x80xi32, #tpu.memory_space<vmem>>
      %dma_wait3A_382 = tpu.memref_squeeze %dma_wait3A_381 : memref<1x80xi32, #tpu.memory_space<vmem>> -> memref<80xi32, #tpu.memory_space<vmem>>
      %dma_wait3A_383 = arith.constant 0 : i32
      %dma_wait3A_384 = tpu.memref_slice %arg4[%arg1, %dma_wait3A_372, %dma_wait3A_383] : memref<16x125x80xi32, #tpu.memory_space<hbm>> -> memref<1x1x80xi32, #tpu.memory_space<hbm>>
      %dma_wait3A_385 = tpu.memref_squeeze %dma_wait3A_384 : memref<1x1x80xi32, #tpu.memory_space<hbm>> -> memref<80xi32, #tpu.memory_space<hbm>>
      tpu.wait_dma2 semaphore(%arg20 : memref<!tpu.dma_semaphore, #tpu.memory_space<semaphore_mem>>) src(%dma_wait3A_385 : memref<80xi32, #tpu.memory_space<hbm>>) dst(%dma_wait3A_382 : memref<80xi32, #tpu.memory_space<vmem>>)
      %add3A_386 = arith.constant 1 : i32
      %add3A_387 = arith.addi %add3A_357, %add3A_386 : i32
      %scan3A_388 = arith.constant 0 : i32
      %scan3A_389 = arith.constant 0 : i32
      %scan3A_390 = arith.constant 5 : i32
      %scan3A_391 = arith.addi %scan3A_389, %scan3A_390 : i32
      %scan3A_392 = arith.constant 1 : i32
      scf.for %scan3A_429 = %scan3A_389 to %scan3A_391 step %scan3A_392  : i32 {
        %mul3A_430 = arith.constant 16 : i32
        %mul3A_431 = arith.muli %scan3A_429, %mul3A_430 : i32
        %get3A = arith.constant 0 : i32
        %get3A_432 = arith.index_cast %get3A : i32 to index
        %get3A_433 = arith.index_cast %mul3A_431 : i32 to index
        %get3A_434 = tpu.vector_load %arg7[%get3A_432, %get3A_433] {strides = array<i32>} : memref<4x80xi32, #tpu.memory_space<vmem>>, vector<1x16xi32>,
        %get3A_435 = vector.shape_cast %get3A_434 : vector<1x16xi32> to vector<16xi32>
        %add3A_436 = arith.addi %get3A_435, %get3A_435 : vector<16xi32>
        %add3A_437 = vector.broadcast %arg0 : i32 to vector<16xi32>
        %add3A_438 = arith.addi %add3A_436, %add3A_437 : vector<16xi32>
        %mul3A_439 = arith.constant 16 : i32
        %mul3A_440 = arith.muli %scan3A_429, %mul3A_439 : i32
        %swap3A = arith.constant 0 : i32
        %swap3A_441 = arith.index_cast %swap3A : i32 to index
        %swap3A_442 = arith.index_cast %mul3A_440 : i32 to index
        %swap3A_443 = tpu.vector_load %arg7[%swap3A_441, %swap3A_442] {strides = array<i32>} : memref<4x80xi32, #tpu.memory_space<vmem>>, vector<1x16xi32>,
        %swap3A_444 = vector.shape_cast %swap3A_443 : vector<1x16xi32> to vector<16xi32>
        %swap3A_445 = vector.shape_cast %add3A_438 : vector<16xi32> to vector<1x16xi32>
        tpu.vector_store %arg7[%swap3A_441, %swap3A_442], %swap3A_445 {strides = array<i32>} : memref<4x80xi32, #tpu.memory_space<vmem>>, vector<1x16xi32>,
        %iota3A = tpu.iota {dimensions = array<i32: 0>} : vector<16xi32>
        %mul3A_446 = arith.constant 10000 : i32
        %mul3A_447 = arith.muli %arg1, %mul3A_446 : i32
        %mul3A_448 = arith.constant 80 : i32
        %mul3A_449 = arith.muli %add3A_387, %mul3A_448 : i32
        %add3A_450 = arith.addi %mul3A_447, %mul3A_449 : i32
        %mul3A_451 = arith.constant 16 : i32
        %mul3A_452 = arith.muli %scan3A_429, %mul3A_451 : i32
        %add3A_453 = arith.addi %add3A_450, %mul3A_452 : i32
        %add3A_454 = vector.broadcast %add3A_453 : i32 to vector<16xi32>
        %add3A_455 = arith.addi %iota3A, %add3A_454 : vector<16xi32>
        %add3A_456 = arith.addi %add3A_455, %add3A_455 : vector<16xi32>
        %add3A_457 = vector.broadcast %arg0 : i32 to vector<16xi32>
        %add3A_458 = arith.addi %add3A_456, %add3A_457 : vector<16xi32>
        %mul3A_459 = arith.constant 16 : i32
        %mul3A_460 = arith.muli %scan3A_429, %mul3A_459 : i32
        %swap3A_461 = arith.constant 0 : i32
        %swap3A_462 = arith.index_cast %swap3A_461 : i32 to index
        %swap3A_463 = arith.index_cast %mul3A_460 : i32 to index
        %swap3A_464 = tpu.vector_load %arg9[%swap3A_462, %swap3A_463] {strides = array<i32>} : memref<4x80xi32, #tpu.memory_space<vmem>>, vector<1x16xi32>,
        %swap3A_465 = vector.shape_cast %swap3A_464 : vector<1x16xi32> to vector<16xi32>
        %swap3A_466 = vector.shape_cast %add3A_458 : vector<16xi32> to vector<1x16xi32>
        tpu.vector_store %arg9[%swap3A_462, %swap3A_463], %swap3A_466 {strides = array<i32>} : memref<4x80xi32, #tpu.memory_space<vmem>>, vector<1x16xi32>,
      }
      %scan3A_393 = arith.constant 5 : i32
      %dma_start3A_394 = arith.constant 0 : i32
      %dma_start3A_395 = arith.constant 0 : i32
      %dma_start3A_396 = tpu.memref_slice %arg7[%dma_start3A_394, %dma_start3A_395] : memref<4x80xi32, #tpu.memory_space<vmem>> -> memref<1x80xi32, #tpu.memory_space<vmem>>
      %dma_start3A_397 = tpu.memref_squeeze %dma_start3A_396 : memref<1x80xi32, #tpu.memory_space<vmem>> -> memref<80xi32, #tpu.memory_space<vmem>>
      %dma_start3A_398 = arith.constant 0 : i32
      %dma_start3A_399 = arith.constant 0 : i32
      %dma_start3A_400 = tpu.memref_slice %arg2[%dma_start3A_398, %dma_start3A_399] : memref<20000x128xf32, #tpu.memory_space<hbm>> -> memref<20000x128xf32, #tpu.memory_space<hbm>>
      tpu.enqueue_indirect_dma source(%dma_start3A_400 : memref<20000x128xf32, #tpu.memory_space<hbm>>) target(%arg10 : memref<80x128xf32, #tpu.memory_space<vmem>>) offsets(%dma_start3A_397 : memref<80xi32, #tpu.memory_space<vmem>>) semaphore(%arg16 : memref<!tpu.dma_semaphore, #tpu.memory_space<semaphore_mem>>)
      %dma_start3A_401 = arith.constant 0 : i32
      %dma_start3A_402 = arith.constant 0 : i32
      %dma_start3A_403 = tpu.memref_slice %arg9[%dma_start3A_401, %dma_start3A_402] : memref<4x80xi32, #tpu.memory_space<vmem>> -> memref<1x80xi32, #tpu.memory_space<vmem>>
      %dma_start3A_404 = tpu.memref_squeeze %dma_start3A_403 : memref<1x80xi32, #tpu.memory_space<vmem>> -> memref<80xi32, #tpu.memory_space<vmem>>
      %dma_start3A_405 = arith.constant 0 : i32
      %dma_start3A_406 = arith.constant 0 : i32
      %dma_start3A_407 = tpu.memref_slice %arg5[%dma_start3A_405, %dma_start3A_406] : memref<320000x128xf32, #tpu.memory_space<hbm>> -> memref<320000x128xf32, #tpu.memory_space<hbm>>
      tpu.enqueue_indirect_dma source(%dma_start3A_407 : memref<320000x128xf32, #tpu.memory_space<hbm>>) target(%arg12 : memref<80x128xf32, #tpu.memory_space<vmem>>) offsets(%dma_start3A_404 : memref<80xi32, #tpu.memory_space<vmem>>) semaphore(%arg18 : memref<!tpu.dma_semaphore, #tpu.memory_space<semaphore_mem>>)
      %add3A_408 = arith.constant 2 : i32
      %add3A_409 = arith.addi %add3A_357, %add3A_408 : i32
      %lt3A_410 = arith.constant 125 : i32
      %lt3A_411 = arith.cmpi slt, %add3A_409, %lt3A_410 : i32
      %convert_element_type3A_412 = arith.extui %lt3A_411 : i1 to i32
      %cond3A_413 = arith.constant 0 : i32
      %cond3A_414 = arith.cmpi ne, %convert_element_type3A_412, %cond3A_413 : i32
      scf.if %cond3A_414 {
        %add3A_429 = arith.constant 2 : i32
        %add3A_430 = arith.addi %add3A_357, %add3A_429 : i32
        %dma_start3A_431 = arith.constant 1 : i32
        %dma_start3A_432 = arith.constant 0 : i32
        %dma_start3A_433 = tpu.memref_slice %arg7[%dma_start3A_431, %dma_start3A_432] : memref<4x80xi32, #tpu.memory_space<vmem>> -> memref<1x80xi32, #tpu.memory_space<vmem>>
        %dma_start3A_434 = tpu.memref_squeeze %dma_start3A_433 : memref<1x80xi32, #tpu.memory_space<vmem>> -> memref<80xi32, #tpu.memory_space<vmem>>
        %dma_start3A_435 = arith.constant 0 : i32
        %dma_start3A_436 = tpu.memref_slice %arg3[%arg1, %add3A_430, %dma_start3A_435] : memref<16x125x80xi32, #tpu.memory_space<hbm>> -> memref<1x1x80xi32, #tpu.memory_space<hbm>>
        %dma_start3A_437 = tpu.memref_squeeze %dma_start3A_436 : memref<1x1x80xi32, #tpu.memory_space<hbm>> -> memref<80xi32, #tpu.memory_space<hbm>>
        %dma_start3A_438 = arith.constant 0 : i32
        %dma_start3A_439 = tpu.memref_slice %arg7[%dma_start3A_431, %dma_start3A_438] : memref<4x80xi32, #tpu.memory_space<vmem>> -> memref<1x80xi32, #tpu.memory_space<vmem>>
        %dma_start3A_440 = tpu.memref_squeeze %dma_start3A_439 : memref<1x80xi32, #tpu.memory_space<vmem>> -> memref<80xi32, #tpu.memory_space<vmem>>
        %dma_start3A_441 = arith.constant 0 : i32
        %dma_start3A_442 = tpu.memref_slice %arg3[%arg1, %add3A_430, %dma_start3A_441] : memref<16x125x80xi32, #tpu.memory_space<hbm>> -> memref<1x1x80xi32, #tpu.memory_space<hbm>>
        %dma_start3A_443 = tpu.memref_squeeze %dma_start3A_442 : memref<1x1x80xi32, #tpu.memory_space<hbm>> -> memref<80xi32, #tpu.memory_space<hbm>>
        tpu.enqueue_dma source(%dma_start3A_443 : memref<80xi32, #tpu.memory_space<hbm>>) target(%dma_start3A_440 : memref<80xi32, #tpu.memory_space<vmem>>) target_semaphore(%arg21 : memref<!tpu.dma_semaphore, #tpu.memory_space<semaphore_mem>>)
        %dma_start3A_444 = arith.constant 1 : i32
        %dma_start3A_445 = arith.constant 0 : i32
        %dma_start3A_446 = tpu.memref_slice %arg8[%dma_start3A_444, %dma_start3A_445] : memref<4x80xi32, #tpu.memory_space<vmem>> -> memref<1x80xi32, #tpu.memory_space<vmem>>
        %dma_start3A_447 = tpu.memref_squeeze %dma_start3A_446 : memref<1x80xi32, #tpu.memory_space<vmem>> -> memref<80xi32, #tpu.memory_space<vmem>>
        %dma_start3A_448 = arith.constant 0 : i32
        %dma_start3A_449 = tpu.memref_slice %arg4[%arg1, %add3A_430, %dma_start3A_448] : memref<16x125x80xi32, #tpu.memory_space<hbm>> -> memref<1x1x80xi32, #tpu.memory_space<hbm>>
        %dma_start3A_450 = tpu.memref_squeeze %dma_start3A_449 : memref<1x1x80xi32, #tpu.memory_space<hbm>> -> memref<80xi32, #tpu.memory_space<hbm>>
        %dma_start3A_451 = arith.constant 0 : i32
        %dma_start3A_452 = tpu.memref_slice %arg8[%dma_start3A_444, %dma_start3A_451] : memref<4x80xi32, #tpu.memory_space<vmem>> -> memref<1x80xi32, #tpu.memory_space<vmem>>
        %dma_start3A_453 = tpu.memref_squeeze %dma_start3A_452 : memref<1x80xi32, #tpu.memory_space<vmem>> -> memref<80xi32, #tpu.memory_space<vmem>>
        %dma_start3A_454 = arith.constant 0 : i32
        %dma_start3A_455 = tpu.memref_slice %arg4[%arg1, %add3A_430, %dma_start3A_454] : memref<16x125x80xi32, #tpu.memory_space<hbm>> -> memref<1x1x80xi32, #tpu.memory_space<hbm>>
        %dma_start3A_456 = tpu.memref_squeeze %dma_start3A_455 : memref<1x1x80xi32, #tpu.memory_space<hbm>> -> memref<80xi32, #tpu.memory_space<hbm>>
        tpu.enqueue_dma source(%dma_start3A_456 : memref<80xi32, #tpu.memory_space<hbm>>) target(%dma_start3A_453 : memref<80xi32, #tpu.memory_space<vmem>>) target_semaphore(%arg21 : memref<!tpu.dma_semaphore, #tpu.memory_space<semaphore_mem>>)
      } else {
      }
      %dma_wait3A_415 = arith.constant 0 : i32
      %dma_wait3A_416 = arith.constant 0 : i32
      %dma_wait3A_417 = tpu.memref_slice %arg2[%dma_wait3A_415, %dma_wait3A_416] : memref<20000x128xf32, #tpu.memory_space<hbm>> -> memref<80x128xf32, #tpu.memory_space<hbm>>
      %dma_wait3A_418 = arith.constant 0 : i32
      %dma_wait3A_419 = arith.constant 0 : i32
      %dma_wait3A_420 = tpu.memref_slice %arg2[%dma_wait3A_418, %dma_wait3A_419] : memref<20000x128xf32, #tpu.memory_space<hbm>> -> memref<80x128xf32, #tpu.memory_space<hbm>>
      tpu.wait_dma2 semaphore(%arg17 : memref<!tpu.dma_semaphore, #tpu.memory_space<semaphore_mem>>) src(%dma_wait3A_420 : memref<80x128xf32, #tpu.memory_space<hbm>>) dst(%arg11 : memref<80x128xf32, #tpu.memory_space<vmem>>)
      %dma_wait3A_421 = arith.constant 0 : i32
      %dma_wait3A_422 = arith.constant 0 : i32
      %dma_wait3A_423 = tpu.memref_slice %arg5[%dma_wait3A_421, %dma_wait3A_422] : memref<320000x128xf32, #tpu.memory_space<hbm>> -> memref<80x128xf32, #tpu.memory_space<hbm>>
      %dma_wait3A_424 = arith.constant 0 : i32
      %dma_wait3A_425 = arith.constant 0 : i32
      %dma_wait3A_426 = tpu.memref_slice %arg5[%dma_wait3A_424, %dma_wait3A_425] : memref<320000x128xf32, #tpu.memory_space<hbm>> -> memref<80x128xf32, #tpu.memory_space<hbm>>
      tpu.wait_dma2 semaphore(%arg19 : memref<!tpu.dma_semaphore, #tpu.memory_space<semaphore_mem>>) src(%dma_wait3A_426 : memref<80x128xf32, #tpu.memory_space<hbm>>) dst(%arg13 : memref<80x128xf32, #tpu.memory_space<vmem>>)
      %run_scoped3A_427 = arith.constant 3 : i32
      "tpu.region"() ({
        %run_scoped3A_429 = tpu.sem_alloc : memref<!tpu.dma_semaphore, #tpu.memory_space<semaphore_mem>>
        %dma_start3A_430 = arith.constant 0 : i32
        %dma_start3A_431 = tpu.memref_slice %arg8[%run_scoped3A_427, %dma_start3A_430] : memref<4x80xi32, #tpu.memory_space<vmem>> -> memref<1x80xi32, #tpu.memory_space<vmem>>
        %dma_start3A_432 = tpu.memref_squeeze %dma_start3A_431 : memref<1x80xi32, #tpu.memory_space<vmem>> -> memref<80xi32, #tpu.memory_space<vmem>>
        %dma_start3A_433 = arith.constant 0 : i32
        %dma_start3A_434 = arith.constant 0 : i32
        %dma_start3A_435 = tpu.memref_slice %arg15[%dma_start3A_433, %dma_start3A_434] : memref<10000x128xf32, #tpu.memory_space<vmem_shared>> -> memref<10000x128xf32, #tpu.memory_space<vmem_shared>>
        tpu.enqueue_indirect_dma source(%arg11 : memref<80x128xf32, #tpu.memory_space<vmem>>) target(%dma_start3A_435 : memref<10000x128xf32, #tpu.memory_space<vmem_shared>>) offsets(%dma_start3A_432 : memref<80xi32, #tpu.memory_space<vmem>>) semaphore(%run_scoped3A_429 : memref<!tpu.dma_semaphore, #tpu.memory_space<semaphore_mem>>) {add = true}
        %dma_wait3A_436 = arith.constant 0 : i32
        %dma_wait3A_437 = tpu.memref_slice %arg8[%run_scoped3A_427, %dma_wait3A_436] : memref<4x80xi32, #tpu.memory_space<vmem>> -> memref<1x80xi32, #tpu.memory_space<vmem>>
        %dma_wait3A_438 = tpu.memref_squeeze %dma_wait3A_437 : memref<1x80xi32, #tpu.memory_space<vmem>> -> memref<80xi32, #tpu.memory_space<vmem>>
        %dma_wait3A_439 = arith.constant 0 : i32
        %dma_wait3A_440 = arith.constant 0 : i32
        %dma_wait3A_441 = tpu.memref_slice %arg15[%dma_wait3A_439, %dma_wait3A_440] : memref<10000x128xf32, #tpu.memory_space<vmem_shared>> -> memref<10000x128xf32, #tpu.memory_space<vmem_shared>>
        tpu.wait_indirect_dma semaphore(%run_scoped3A_429 : memref<!tpu.dma_semaphore, #tpu.memory_space<semaphore_mem>>) src(%arg11 : memref<80x128xf32, #tpu.memory_space<vmem>>) dst(%dma_wait3A_441 : memref<10000x128xf32, #tpu.memory_space<vmem_shared>>)
        tpu.yield
      }) : () -> ()
      %run_scoped3A_428 = arith.constant 3 : i32
      "tpu.region"() ({
        %run_scoped3A_429 = tpu.sem_alloc : memref<!tpu.dma_semaphore, #tpu.memory_space<semaphore_mem>>
        %dma_start3A_430 = arith.constant 0 : i32
        %dma_start3A_431 = tpu.memref_slice %arg8[%run_scoped3A_428, %dma_start3A_430] : memref<4x80xi32, #tpu.memory_space<vmem>> -> memref<1x80xi32, #tpu.memory_space<vmem>>
        %dma_start3A_432 = tpu.memref_squeeze %dma_start3A_431 : memref<1x80xi32, #tpu.memory_space<vmem>> -> memref<80xi32, #tpu.memory_space<vmem>>
        %dma_start3A_433 = arith.constant 0 : i32
        %dma_start3A_434 = arith.constant 0 : i32
        %dma_start3A_435 = tpu.memref_slice %arg15[%dma_start3A_433, %dma_start3A_434] : memref<10000x128xf32, #tpu.memory_space<vmem_shared>> -> memref<10000x128xf32, #tpu.memory_space<vmem_shared>>
        tpu.enqueue_indirect_dma source(%arg13 : memref<80x128xf32, #tpu.memory_space<vmem>>) target(%dma_start3A_435 : memref<10000x128xf32, #tpu.memory_space<vmem_shared>>) offsets(%dma_start3A_432 : memref<80xi32, #tpu.memory_space<vmem>>) semaphore(%run_scoped3A_429 : memref<!tpu.dma_semaphore, #tpu.memory_space<semaphore_mem>>) {add = true}
        %dma_wait3A_436 = arith.constant 0 : i32
        %dma_wait3A_437 = tpu.memref_slice %arg8[%run_scoped3A_428, %dma_wait3A_436] : memref<4x80xi32, #tpu.memory_space<vmem>> -> memref<1x80xi32, #tpu.memory_space<vmem>>
        %dma_wait3A_438 = tpu.memref_squeeze %dma_wait3A_437 : memref<1x80xi32, #tpu.memory_space<vmem>> -> memref<80xi32, #tpu.memory_space<vmem>>
        %dma_wait3A_439 = arith.constant 0 : i32
        %dma_wait3A_440 = arith.constant 0 : i32
        %dma_wait3A_441 = tpu.memref_slice %arg15[%dma_wait3A_439, %dma_wait3A_440] : memref<10000x128xf32, #tpu.memory_space<vmem_shared>> -> memref<10000x128xf32, #tpu.memory_space<vmem_shared>>
        tpu.wait_indirect_dma semaphore(%run_scoped3A_429 : memref<!tpu.dma_semaphore, #tpu.memory_space<semaphore_mem>>) src(%arg13 : memref<80x128xf32, #tpu.memory_space<vmem>>) dst(%dma_wait3A_441 : memref<10000x128xf32, #tpu.memory_space<vmem_shared>>)
        tpu.yield
      }) : () -> ()
    }
    %scan3A_118 = arith.constant 31 : i32
    %dma_wait3A_119 = arith.constant 0 : i32
    %dma_wait3A_120 = arith.constant 0 : i32
    %dma_wait3A_121 = tpu.memref_slice %arg2[%dma_wait3A_119, %dma_wait3A_120] : memref<20000x128xf32, #tpu.memory_space<hbm>> -> memref<80x128xf32, #tpu.memory_space<hbm>>
    %dma_wait3A_122 = arith.constant 0 : i32
    %dma_wait3A_123 = arith.constant 0 : i32
    %dma_wait3A_124 = tpu.memref_slice %arg2[%dma_wait3A_122, %dma_wait3A_123] : memref<20000x128xf32, #tpu.memory_space<hbm>> -> memref<80x128xf32, #tpu.memory_space<hbm>>
    tpu.wait_dma2 semaphore(%arg16 : memref<!tpu.dma_semaphore, #tpu.memory_space<semaphore_mem>>) src(%dma_wait3A_124 : memref<80x128xf32, #tpu.memory_space<hbm>>) dst(%arg10 : memref<80x128xf32, #tpu.memory_space<vmem>>)
    %dma_wait3A_125 = arith.constant 0 : i32
    %dma_wait3A_126 = arith.constant 0 : i32
    %dma_wait3A_127 = tpu.memref_slice %arg5[%dma_wait3A_125, %dma_wait3A_126] : memref<320000x128xf32, #tpu.memory_space<hbm>> -> memref<80x128xf32, #tpu.memory_space<hbm>>
    %dma_wait3A_128 = arith.constant 0 : i32
    %dma_wait3A_129 = arith.constant 0 : i32
    %dma_wait3A_130 = tpu.memref_slice %arg5[%dma_wait3A_128, %dma_wait3A_129] : memref<320000x128xf32, #tpu.memory_space<hbm>> -> memref<80x128xf32, #tpu.memory_space<hbm>>
    tpu.wait_dma2 semaphore(%arg18 : memref<!tpu.dma_semaphore, #tpu.memory_space<semaphore_mem>>) src(%dma_wait3A_130 : memref<80x128xf32, #tpu.memory_space<hbm>>) dst(%arg12 : memref<80x128xf32, #tpu.memory_space<vmem>>)
    %run_scoped3A = arith.constant 0 : i32
    "tpu.region"() ({
      %run_scoped3A_139 = tpu.sem_alloc : memref<!tpu.dma_semaphore, #tpu.memory_space<semaphore_mem>>
      %dma_start3A_140 = arith.constant 0 : i32
      %dma_start3A_141 = tpu.memref_slice %arg8[%run_scoped3A, %dma_start3A_140] : memref<4x80xi32, #tpu.memory_space<vmem>> -> memref<1x80xi32, #tpu.memory_space<vmem>>
      %dma_start3A_142 = tpu.memref_squeeze %dma_start3A_141 : memref<1x80xi32, #tpu.memory_space<vmem>> -> memref<80xi32, #tpu.memory_space<vmem>>
      %dma_start3A_143 = arith.constant 0 : i32
      %dma_start3A_144 = arith.constant 0 : i32
      %dma_start3A_145 = tpu.memref_slice %arg15[%dma_start3A_143, %dma_start3A_144] : memref<10000x128xf32, #tpu.memory_space<vmem_shared>> -> memref<10000x128xf32, #tpu.memory_space<vmem_shared>>
      tpu.enqueue_indirect_dma source(%arg10 : memref<80x128xf32, #tpu.memory_space<vmem>>) target(%dma_start3A_145 : memref<10000x128xf32, #tpu.memory_space<vmem_shared>>) offsets(%dma_start3A_142 : memref<80xi32, #tpu.memory_space<vmem>>) semaphore(%run_scoped3A_139 : memref<!tpu.dma_semaphore, #tpu.memory_space<semaphore_mem>>) {add = true}
      %dma_wait3A_146 = arith.constant 0 : i32
      %dma_wait3A_147 = tpu.memref_slice %arg8[%run_scoped3A, %dma_wait3A_146] : memref<4x80xi32, #tpu.memory_space<vmem>> -> memref<1x80xi32, #tpu.memory_space<vmem>>
      %dma_wait3A_148 = tpu.memref_squeeze %dma_wait3A_147 : memref<1x80xi32, #tpu.memory_space<vmem>> -> memref<80xi32, #tpu.memory_space<vmem>>
      %dma_wait3A_149 = arith.constant 0 : i32
      %dma_wait3A_150 = arith.constant 0 : i32
      %dma_wait3A_151 = tpu.memref_slice %arg15[%dma_wait3A_149, %dma_wait3A_150] : memref<10000x128xf32, #tpu.memory_space<vmem_shared>> -> memref<10000x128xf32, #tpu.memory_space<vmem_shared>>
      tpu.wait_indirect_dma semaphore(%run_scoped3A_139 : memref<!tpu.dma_semaphore, #tpu.memory_space<semaphore_mem>>) src(%arg10 : memref<80x128xf32, #tpu.memory_space<vmem>>) dst(%dma_wait3A_151 : memref<10000x128xf32, #tpu.memory_space<vmem_shared>>)
      tpu.yield
    }) : () -> ()
    %run_scoped3A_131 = arith.constant 0 : i32
    "tpu.region"() ({
      %run_scoped3A_139 = tpu.sem_alloc : memref<!tpu.dma_semaphore, #tpu.memory_space<semaphore_mem>>
      %dma_start3A_140 = arith.constant 0 : i32
      %dma_start3A_141 = tpu.memref_slice %arg8[%run_scoped3A_131, %dma_start3A_140] : memref<4x80xi32, #tpu.memory_space<vmem>> -> memref<1x80xi32, #tpu.memory_space<vmem>>
      %dma_start3A_142 = tpu.memref_squeeze %dma_start3A_141 : memref<1x80xi32, #tpu.memory_space<vmem>> -> memref<80xi32, #tpu.memory_space<vmem>>
      %dma_start3A_143 = arith.constant 0 : i32
      %dma_start3A_144 = arith.constant 0 : i32
      %dma_start3A_145 = tpu.memref_slice %arg15[%dma_start3A_143, %dma_start3A_144] : memref<10000x128xf32, #tpu.memory_space<vmem_shared>> -> memref<10000x128xf32, #tpu.memory_space<vmem_shared>>
      tpu.enqueue_indirect_dma source(%arg12 : memref<80x128xf32, #tpu.memory_space<vmem>>) target(%dma_start3A_145 : memref<10000x128xf32, #tpu.memory_space<vmem_shared>>) offsets(%dma_start3A_142 : memref<80xi32, #tpu.memory_space<vmem>>) semaphore(%run_scoped3A_139 : memref<!tpu.dma_semaphore, #tpu.memory_space<semaphore_mem>>) {add = true}
      %dma_wait3A_146 = arith.constant 0 : i32
      %dma_wait3A_147 = tpu.memref_slice %arg8[%run_scoped3A_131, %dma_wait3A_146] : memref<4x80xi32, #tpu.memory_space<vmem>> -> memref<1x80xi32, #tpu.memory_space<vmem>>
      %dma_wait3A_148 = tpu.memref_squeeze %dma_wait3A_147 : memref<1x80xi32, #tpu.memory_space<vmem>> -> memref<80xi32, #tpu.memory_space<vmem>>
      %dma_wait3A_149 = arith.constant 0 : i32
      %dma_wait3A_150 = arith.constant 0 : i32
      %dma_wait3A_151 = tpu.memref_slice %arg15[%dma_wait3A_149, %dma_wait3A_150] : memref<10000x128xf32, #tpu.memory_space<vmem_shared>> -> memref<10000x128xf32, #tpu.memory_space<vmem_shared>>
      tpu.wait_indirect_dma semaphore(%run_scoped3A_139 : memref<!tpu.dma_semaphore, #tpu.memory_space<semaphore_mem>>) src(%arg12 : memref<80x128xf32, #tpu.memory_space<vmem>>) dst(%dma_wait3A_151 : memref<10000x128xf32, #tpu.memory_space<vmem_shared>>)
      tpu.yield
    }) : () -> ()
    %barrier3A_132 = arith.constant 0 : index
    tpu.barrier barrier_id(%barrier3A_132)
    %scan3A_133 = arith.constant 0 : i32
    %scan3A_134 = arith.constant 0 : i32
    %scan3A_135 = arith.constant 16 : i32
    %scan3A_136 = arith.addi %scan3A_134, %scan3A_135 : i32
    %scan3A_137 = arith.constant 1 : i32
    scf.for %scan3A_139 = %scan3A_134 to %scan3A_136 step %scan3A_137  : i32 {
      %mul3A = arith.constant 16 : i32
      %mul3A_140 = arith.muli %scan3A_139, %mul3A : i32
      %add3A = arith.addi %mul3A_140, %arg1 : i32
      %lt3A = arith.constant 250 : i32
      %lt3A_141 = arith.cmpi slt, %add3A, %lt3A : i32
      %convert_element_type3A = arith.extui %lt3A_141 : i1 to i32
      %cond3A = arith.constant 0 : i32
      %cond3A_142 = arith.cmpi ne, %convert_element_type3A, %cond3A : i32
      scf.if %cond3A_142 {
        %mul3A_143 = arith.constant 40 : i32
        %mul3A_144 = arith.muli %add3A, %mul3A_143 : i32
        "tpu.region"() ({
          %run_scoped3A_145 = tpu.sem_alloc : memref<!tpu.dma_semaphore, #tpu.memory_space<semaphore_mem>>
          %dma_start3A_146 = arith.constant 0 : i32
          %dma_start3A_147 = tpu.memref_slice %arg15[%mul3A_144, %dma_start3A_146] : memref<10000x128xf32, #tpu.memory_space<vmem_shared>> -> memref<40x128xf32, #tpu.memory_space<vmem_shared>>
          %dma_start3A_148 = arith.constant 0 : i32
          %dma_start3A_149 = tpu.memref_slice %arg15[%mul3A_144, %dma_start3A_148] : memref<10000x128xf32, #tpu.memory_space<vmem_shared>> -> memref<40x128xf32, #tpu.memory_space<vmem_shared>>
          tpu.enqueue_dma source(%dma_start3A_149 : memref<40x128xf32, #tpu.memory_space<vmem_shared>>) target(%arg14 : memref<40x128xf32, #tpu.memory_space<vmem>>) target_semaphore(%run_scoped3A_145 : memref<!tpu.dma_semaphore, #tpu.memory_space<semaphore_mem>>)
          %dma_wait3A_150 = arith.constant 0 : i32
          %dma_wait3A_151 = tpu.memref_slice %arg15[%mul3A_144, %dma_wait3A_150] : memref<10000x128xf32, #tpu.memory_space<vmem_shared>> -> memref<40x128xf32, #tpu.memory_space<vmem_shared>>
          %dma_wait3A_152 = arith.constant 0 : i32
          %dma_wait3A_153 = tpu.memref_slice %arg15[%mul3A_144, %dma_wait3A_152] : memref<10000x128xf32, #tpu.memory_space<vmem_shared>> -> memref<40x128xf32, #tpu.memory_space<vmem_shared>>
          tpu.wait_dma2 semaphore(%run_scoped3A_145 : memref<!tpu.dma_semaphore, #tpu.memory_space<semaphore_mem>>) src(%dma_wait3A_153 : memref<40x128xf32, #tpu.memory_space<vmem_shared>>) dst(%arg14 : memref<40x128xf32, #tpu.memory_space<vmem>>)
          tpu.yield
        }) : () -> ()
        "tpu.region"() ({
          %run_scoped3A_145 = tpu.sem_alloc : memref<!tpu.dma_semaphore, #tpu.memory_space<semaphore_mem>>
          %dma_start3A_146 = arith.constant 0 : i32
          %dma_start3A_147 = tpu.memref_slice %arg6[%arg0, %mul3A_144, %dma_start3A_146] : memref<2x10000x128xf32, #tpu.memory_space<hbm>> -> memref<1x40x128xf32, #tpu.memory_space<hbm>>
          %dma_start3A_148 = tpu.memref_squeeze %dma_start3A_147 : memref<1x40x128xf32, #tpu.memory_space<hbm>> -> memref<40x128xf32, #tpu.memory_space<hbm>>
          %dma_start3A_149 = arith.constant 0 : i32
          %dma_start3A_150 = tpu.memref_slice %arg6[%arg0, %mul3A_144, %dma_start3A_149] : memref<2x10000x128xf32, #tpu.memory_space<hbm>> -> memref<1x40x128xf32, #tpu.memory_space<hbm>>
          %dma_start3A_151 = tpu.memref_squeeze %dma_start3A_150 : memref<1x40x128xf32, #tpu.memory_space<hbm>> -> memref<40x128xf32, #tpu.memory_space<hbm>>
          tpu.enqueue_dma source(%arg14 : memref<40x128xf32, #tpu.memory_space<vmem>>) target(%dma_start3A_151 : memref<40x128xf32, #tpu.memory_space<hbm>>) target_semaphore(%run_scoped3A_145 : memref<!tpu.dma_semaphore, #tpu.memory_space<semaphore_mem>>)
          %dma_wait3A_152 = arith.constant 0 : i32
          %dma_wait3A_153 = tpu.memref_slice %arg6[%arg0, %mul3A_144, %dma_wait3A_152] : memref<2x10000x128xf32, #tpu.memory_space<hbm>> -> memref<1x40x128xf32, #tpu.memory_space<hbm>>
          %dma_wait3A_154 = tpu.memref_squeeze %dma_wait3A_153 : memref<1x40x128xf32, #tpu.memory_space<hbm>> -> memref<40x128xf32, #tpu.memory_space<hbm>>
          %dma_wait3A_155 = arith.constant 0 : i32
          %dma_wait3A_156 = tpu.memref_slice %arg6[%arg0, %mul3A_144, %dma_wait3A_155] : memref<2x10000x128xf32, #tpu.memory_space<hbm>> -> memref<1x40x128xf32, #tpu.memory_space<hbm>>
          %dma_wait3A_157 = tpu.memref_squeeze %dma_wait3A_156 : memref<1x40x128xf32, #tpu.memory_space<hbm>> -> memref<40x128xf32, #tpu.memory_space<hbm>>
          tpu.wait_dma2 semaphore(%run_scoped3A_145 : memref<!tpu.dma_semaphore, #tpu.memory_space<semaphore_mem>>) src(%arg14 : memref<40x128xf32, #tpu.memory_space<vmem>>) dst(%dma_wait3A_157 : memref<40x128xf32, #tpu.memory_space<hbm>>)
          tpu.yield
        }) : () -> ()
      } else {
      }
    }
    %scan3A_138 = arith.constant 16 : i32
    return
  }
}

module attributes {stable_mosaic.version = 14 : i64} {
  func.func @_tc_body(%arg0: i32, %arg1: memref<1x1000x128xf32, #tpu.memory_space<vmem>>, %arg2: memref<1x1000x128xf32, #tpu.memory_space<vmem>>, %arg3: memref<256x128xf32, #tpu.memory_space<vmem>>, %arg4: memref<256x128xf32, #tpu.memory_space<vmem>>, %arg5: memref<1000x256xf32, #tpu.memory_space<vmem>>, %arg6: memref<1x256xf32, #tpu.memory_space<vmem>>, %arg7: memref<1x256xf32, #tpu.memory_space<vmem>>, %arg8: memref<1x256xf32, #tpu.memory_space<vmem>>, %arg9: memref<1x256xf32, #tpu.memory_space<vmem>>, %arg10: memref<1x256xf32, #tpu.memory_space<vmem>>, %arg11: memref<1000x256xf32, #tpu.memory_space<vmem>>) attributes {dimension_semantics = [#tpu.dimension_semantics<arbitrary>], iteration_bounds = array<i64: 10>, scalar_prefetch = 0 : i64, scratch_operands = 0 : i64, tpu.core_type = #tpu.core_type<tc>, window_params = [{transform_indices = @transform_0, window_bounds = array<i64: 1, 1000, 128>}, {transform_indices = @transform_1, window_bounds = array<i64: 1, 1000, 128>}, {transform_indices = @transform_2, window_bounds = array<i64: 256, 128>}, {transform_indices = @transform_3, window_bounds = array<i64: 256, 128>}, {transform_indices = @transform_4, window_bounds = array<i64: 1000, 256>}, {pipeline_mode = #tpu.pipeline_mode<synchronous>, transform_indices = @transform_5, window_bounds = array<i64: 1, 256>}, {pipeline_mode = #tpu.pipeline_mode<synchronous>, transform_indices = @transform_6, window_bounds = array<i64: 1, 256>}, {pipeline_mode = #tpu.pipeline_mode<synchronous>, transform_indices = @transform_7, window_bounds = array<i64: 1, 256>}, {pipeline_mode = #tpu.pipeline_mode<synchronous>, transform_indices = @transform_8, window_bounds = array<i64: 1, 256>}, {pipeline_mode = #tpu.pipeline_mode<synchronous>, transform_indices = @transform_9, window_bounds = array<i64: 1, 256>}, {transform_indices = @transform_10, window_bounds = array<i64: 1000, 256>}]} {
    %get3A = arith.constant 0 : index
    %get3A_0 = arith.constant 0 : index
    %get3A_1 = arith.constant 0 : index
    %get3A_2 = vector.load %arg1[%get3A, %get3A_0, %get3A_1] : memref<1x1000x128xf32, #tpu.memory_space<vmem>>, vector<1x1000x128xf32>
    %get3A_3 = vector.shape_cast %get3A_2 : vector<1x1000x128xf32> to vector<1000x128xf32>
    %get3A_4 = arith.constant 0 : index
    %get3A_5 = arith.constant 0 : index
    %get3A_6 = vector.load %arg3[%get3A_4, %get3A_5] : memref<256x128xf32, #tpu.memory_space<vmem>>, vector<256x128xf32>
    %dot_general3A = arith.constant dense<0.000000e+00> : vector<1000x256xf32>
    %dot_general3A_7 = tpu.matmul %get3A_3, %get3A_6, %dot_general3A {dimension_numbers = #tpu.dot_dimension_numbers<[1], [1], [0], [0], [0, 0, 1, 0], [], []>, transpose_lhs_hint = false} : vector<1000x128xf32>, vector<256x128xf32>, vector<1000x256xf32> -> vector<1000x256xf32>
    %get3A_8 = arith.constant 0 : index
    %get3A_9 = arith.constant 0 : index
    %get3A_10 = arith.constant 0 : index
    %get3A_11 = vector.load %arg2[%get3A_8, %get3A_9, %get3A_10] : memref<1x1000x128xf32, #tpu.memory_space<vmem>>, vector<1x1000x128xf32>
    %get3A_12 = vector.shape_cast %get3A_11 : vector<1x1000x128xf32> to vector<1000x128xf32>
    %get3A_13 = arith.constant 0 : index
    %get3A_14 = arith.constant 0 : index
    %get3A_15 = vector.load %arg4[%get3A_13, %get3A_14] : memref<256x128xf32, #tpu.memory_space<vmem>>, vector<256x128xf32>
    %dot_general3A_16 = arith.constant dense<0.000000e+00> : vector<1000x256xf32>
    %dot_general3A_17 = tpu.matmul %get3A_12, %get3A_15, %dot_general3A_16 {dimension_numbers = #tpu.dot_dimension_numbers<[1], [1], [0], [0], [0, 0, 1, 0], [], []>, transpose_lhs_hint = false} : vector<1000x128xf32>, vector<256x128xf32>, vector<1000x256xf32> -> vector<1000x256xf32>
    %add3A = arith.addf %dot_general3A_7, %dot_general3A_17 : vector<1000x256xf32>
    %get3A_18 = arith.constant 0 : index
    %get3A_19 = arith.constant 0 : index
    %get3A_20 = vector.load %arg6[%get3A_18, %get3A_19] : memref<1x256xf32, #tpu.memory_space<vmem>>, vector<1x256xf32>
    %add3A_21 = vector.broadcast %get3A_20 : vector<1x256xf32> to vector<1000x256xf32>
    %add3A_22 = arith.addf %add3A, %add3A_21 : vector<1000x256xf32>
    %max3A = arith.constant 0.000000e+00 : f32
    %max3A_23 = vector.broadcast %max3A : f32 to vector<1000x256xf32>
    %max3A_24 = arith.maximumf %add3A_22, %max3A_23 : vector<1000x256xf32>
    %get3A_25 = arith.constant 0 : index
    %get3A_26 = arith.constant 0 : index
    %get3A_27 = vector.load %arg7[%get3A_25, %get3A_26] : memref<1x256xf32, #tpu.memory_space<vmem>>, vector<1x256xf32>
    %get3A_28 = arith.constant 0 : index
    %get3A_29 = arith.constant 0 : index
    %get3A_30 = vector.load %arg8[%get3A_28, %get3A_29] : memref<1x256xf32, #tpu.memory_space<vmem>>, vector<1x256xf32>
    %reduce_sum3A = arith.constant dense<0.000000e+00> : vector<1000xf32>
    %reduce_sum3A_31 = vector.multi_reduction <add>, %max3A_24, %reduce_sum3A [1] : vector<1000x256xf32> to vector<1000xf32>
    %broadcast_in_dim3A = vector.shape_cast %reduce_sum3A_31 : vector<1000xf32> to vector<1000x1xf32>
    %div3A = arith.constant 2.560000e+02 : f32
    %div3A_32 = vector.broadcast %div3A : f32 to vector<1000x1xf32>
    %div3A_33 = arith.divf %broadcast_in_dim3A, %div3A_32 : vector<1000x1xf32>
    %sub3A = vector.broadcast %div3A_33 : vector<1000x1xf32> to vector<1000x256xf32>
    %sub3A_34 = arith.subf %max3A_24, %sub3A : vector<1000x256xf32>
    %sub3A_35 = vector.broadcast %div3A_33 : vector<1000x1xf32> to vector<1000x256xf32>
    %sub3A_36 = arith.subf %max3A_24, %sub3A_35 : vector<1000x256xf32>
    %mul3A = arith.mulf %sub3A_34, %sub3A_36 : vector<1000x256xf32>
    %reduce_sum3A_37 = arith.constant dense<0.000000e+00> : vector<1000xf32>
    %reduce_sum3A_38 = vector.multi_reduction <add>, %mul3A, %reduce_sum3A_37 [1] : vector<1000x256xf32> to vector<1000xf32>
    %broadcast_in_dim3A_39 = vector.shape_cast %reduce_sum3A_38 : vector<1000xf32> to vector<1000x1xf32>
    %div3A_40 = arith.constant 2.560000e+02 : f32
    %div3A_41 = vector.broadcast %div3A_40 : f32 to vector<1000x1xf32>
    %div3A_42 = arith.divf %broadcast_in_dim3A_39, %div3A_41 : vector<1000x1xf32>
    %sub3A_43 = vector.broadcast %div3A_33 : vector<1000x1xf32> to vector<1000x256xf32>
    %sub3A_44 = arith.subf %max3A_24, %sub3A_43 : vector<1000x256xf32>
    %add3A_45 = arith.constant 9.99999974E-6 : f32
    %add3A_46 = vector.broadcast %add3A_45 : f32 to vector<1000x1xf32>
    %add3A_47 = arith.addf %div3A_42, %add3A_46 : vector<1000x1xf32>
    %rsqrt3A = math.rsqrt %add3A_47 : vector<1000x1xf32>
    %mul3A_48 = vector.broadcast %rsqrt3A : vector<1000x1xf32> to vector<1000x256xf32>
    %mul3A_49 = arith.mulf %sub3A_44, %mul3A_48 : vector<1000x256xf32>
    %mul3A_50 = vector.broadcast %get3A_27 : vector<1x256xf32> to vector<1000x256xf32>
    %mul3A_51 = arith.mulf %mul3A_49, %mul3A_50 : vector<1000x256xf32>
    %add3A_52 = vector.broadcast %get3A_30 : vector<1x256xf32> to vector<1000x256xf32>
    %add3A_53 = arith.addf %mul3A_51, %add3A_52 : vector<1000x256xf32>
    %get3A_54 = arith.constant 0 : index
    %get3A_55 = arith.constant 0 : index
    %get3A_56 = vector.load %arg5[%get3A_54, %get3A_55] : memref<1000x256xf32, #tpu.memory_space<vmem>>, vector<1000x256xf32>
    %add3A_57 = arith.addf %add3A_53, %get3A_56 : vector<1000x256xf32>
    %get3A_58 = arith.constant 0 : index
    %get3A_59 = arith.constant 0 : index
    %get3A_60 = vector.load %arg9[%get3A_58, %get3A_59] : memref<1x256xf32, #tpu.memory_space<vmem>>, vector<1x256xf32>
    %get3A_61 = arith.constant 0 : index
    %get3A_62 = arith.constant 0 : index
    %get3A_63 = vector.load %arg10[%get3A_61, %get3A_62] : memref<1x256xf32, #tpu.memory_space<vmem>>, vector<1x256xf32>
    %reduce_sum3A_64 = arith.constant dense<0.000000e+00> : vector<1000xf32>
    %reduce_sum3A_65 = vector.multi_reduction <add>, %add3A_57, %reduce_sum3A_64 [1] : vector<1000x256xf32> to vector<1000xf32>
    %broadcast_in_dim3A_66 = vector.shape_cast %reduce_sum3A_65 : vector<1000xf32> to vector<1000x1xf32>
    %div3A_67 = arith.constant 2.560000e+02 : f32
    %div3A_68 = vector.broadcast %div3A_67 : f32 to vector<1000x1xf32>
    %div3A_69 = arith.divf %broadcast_in_dim3A_66, %div3A_68 : vector<1000x1xf32>
    %sub3A_70 = vector.broadcast %div3A_69 : vector<1000x1xf32> to vector<1000x256xf32>
    %sub3A_71 = arith.subf %add3A_57, %sub3A_70 : vector<1000x256xf32>
    %sub3A_72 = vector.broadcast %div3A_69 : vector<1000x1xf32> to vector<1000x256xf32>
    %sub3A_73 = arith.subf %add3A_57, %sub3A_72 : vector<1000x256xf32>
    %mul3A_74 = arith.mulf %sub3A_71, %sub3A_73 : vector<1000x256xf32>
    %reduce_sum3A_75 = arith.constant dense<0.000000e+00> : vector<1000xf32>
    %reduce_sum3A_76 = vector.multi_reduction <add>, %mul3A_74, %reduce_sum3A_75 [1] : vector<1000x256xf32> to vector<1000xf32>
    %broadcast_in_dim3A_77 = vector.shape_cast %reduce_sum3A_76 : vector<1000xf32> to vector<1000x1xf32>
    %div3A_78 = arith.constant 2.560000e+02 : f32
    %div3A_79 = vector.broadcast %div3A_78 : f32 to vector<1000x1xf32>
    %div3A_80 = arith.divf %broadcast_in_dim3A_77, %div3A_79 : vector<1000x1xf32>
    %sub3A_81 = vector.broadcast %div3A_69 : vector<1000x1xf32> to vector<1000x256xf32>
    %sub3A_82 = arith.subf %add3A_57, %sub3A_81 : vector<1000x256xf32>
    %add3A_83 = arith.constant 9.99999974E-6 : f32
    %add3A_84 = vector.broadcast %add3A_83 : f32 to vector<1000x1xf32>
    %add3A_85 = arith.addf %div3A_80, %add3A_84 : vector<1000x1xf32>
    %rsqrt3A_86 = math.rsqrt %add3A_85 : vector<1000x1xf32>
    %mul3A_87 = vector.broadcast %rsqrt3A_86 : vector<1000x1xf32> to vector<1000x256xf32>
    %mul3A_88 = arith.mulf %sub3A_82, %mul3A_87 : vector<1000x256xf32>
    %mul3A_89 = vector.broadcast %get3A_60 : vector<1x256xf32> to vector<1000x256xf32>
    %mul3A_90 = arith.mulf %mul3A_88, %mul3A_89 : vector<1000x256xf32>
    %add3A_91 = vector.broadcast %get3A_63 : vector<1x256xf32> to vector<1000x256xf32>
    %add3A_92 = arith.addf %mul3A_90, %add3A_91 : vector<1000x256xf32>
    %swap3A = arith.constant 0 : index
    %swap3A_93 = arith.constant 0 : index
    %swap3A_94 = vector.load %arg11[%swap3A, %swap3A_93] : memref<1000x256xf32, #tpu.memory_space<vmem>>, vector<1000x256xf32>
    tpu.vector_store %arg11[%swap3A, %swap3A_93], %add3A_92 {strides = array<i32>} : memref<1000x256xf32, #tpu.memory_space<vmem>>, vector<1000x256xf32>,
    return
  }
  func.func @transform_0(%arg0: i32) -> (i32, i32, i32) {
    %c0_i32 = arith.constant 0 : i32
    %c0_i32_0 = arith.constant 0 : i32
    %c0_i32_1 = arith.constant 0 : i32
    return %c0_i32, %arg0, %c0_i32_0 : i32, i32, i32
  }
  func.func @transform_1(%arg0: i32) -> (i32, i32, i32) {
    %c1_i32 = arith.constant 1 : i32
    %c0_i32 = arith.constant 0 : i32
    %c0_i32_0 = arith.constant 0 : i32
    return %c1_i32, %arg0, %c0_i32 : i32, i32, i32
  }
  func.func @transform_2(%arg0: i32) -> (i32, i32) {
    %c0_i32 = arith.constant 0 : i32
    %c0_i32_0 = arith.constant 0 : i32
    %c0_i32_1 = arith.constant 0 : i32
    return %c0_i32, %c0_i32_0 : i32, i32
  }
  func.func @transform_3(%arg0: i32) -> (i32, i32) {
    %c0_i32 = arith.constant 0 : i32
    %c1_i32 = arith.constant 1 : i32
    %c0_i32_0 = arith.constant 0 : i32
    return %c0_i32, %c1_i32 : i32, i32
  }
  func.func @transform_4(%arg0: i32) -> (i32, i32) {
    %c0_i32 = arith.constant 0 : i32
    %c0_i32_0 = arith.constant 0 : i32
    return %arg0, %c0_i32 : i32, i32
  }
  func.func @transform_5(%arg0: i32) -> (i32, i32) {
    %c0_i32 = arith.constant 0 : i32
    %c0_i32_0 = arith.constant 0 : i32
    %c0_i32_1 = arith.constant 0 : i32
    return %c0_i32, %c0_i32_0 : i32, i32
  }
  func.func @transform_6(%arg0: i32) -> (i32, i32) {
    %c0_i32 = arith.constant 0 : i32
    %c0_i32_0 = arith.constant 0 : i32
    %c0_i32_1 = arith.constant 0 : i32
    return %c0_i32, %c0_i32_0 : i32, i32
  }
  func.func @transform_7(%arg0: i32) -> (i32, i32) {
    %c0_i32 = arith.constant 0 : i32
    %c0_i32_0 = arith.constant 0 : i32
    %c0_i32_1 = arith.constant 0 : i32
    return %c0_i32, %c0_i32_0 : i32, i32
  }
  func.func @transform_8(%arg0: i32) -> (i32, i32) {
    %c0_i32 = arith.constant 0 : i32
    %c0_i32_0 = arith.constant 0 : i32
    %c0_i32_1 = arith.constant 0 : i32
    return %c0_i32, %c0_i32_0 : i32, i32
  }
  func.func @transform_9(%arg0: i32) -> (i32, i32) {
    %c0_i32 = arith.constant 0 : i32
    %c0_i32_0 = arith.constant 0 : i32
    %c0_i32_1 = arith.constant 0 : i32
    return %c0_i32, %c0_i32_0 : i32, i32
  }
  func.func @transform_10(%arg0: i32) -> (i32, i32) {
    %c0_i32 = arith.constant 0 : i32
    %c0_i32_0 = arith.constant 0 : i32
    return %arg0, %c0_i32 : i32, i32
  }
}

</mosaic_0001>

<sc_bundles>
// kernel: kernel.4.cloned.1.call-start
scs
__scs_entry_jumppad:
0x0: {  	(pc) =	sbr.rel $0x88, $3  }
0x1: {  	(tag) =	ssettag $0x0;
	lr =	simm.s32 $0x1  }
0x2: {  	[smem:$0x3F98] =	sst lr;
	_ =	strace $0xD0000000  }
0x3: {  	_ = 	snop  }
0x4: {  	_ = 	snop  }
0x5: {  	_ = 	snop  }
0x6: {  	_ = 	snop  }
0x7: {  	_ = 	snop  }
__scs_overlays_trampoline_lowered:
0x8: {  	[smem:$0x3FA7] =	sst s0  }
0x9: {  	[smem:$0x3FA8] =	sst s1  }
0xa: {  	[smem:$0x3FA9] =	sst s2  }
0xb: {  	[smem:$0x3FAA] =	sst s3  }
0xc: {  	[smem:$0x3FAB] =	sst s4  }
0xd: {  	[smem:$0x3FAC] =	sst s5  }
0xe: {  	[smem:$0x3FAD] =	sst s6  }
0xf: {  	[smem:$0x3FAE] =	sst s7  }
0x10: {  	[smem:$0x3FAF] =	sst s8  }
0x11: {  	[smem:$0x3FB0] =	sst s9;
	s0 =	simm.s32 @!p0 $0x0  }
0x12: {  	s1 =	sld [smem:$0x3F96];
	s0 =	simm.s32 @p0 $0x1  }
0x13: {  	[smem:$0x3FB1] =	sst s0;
	s0 =	simm.s32 @!p1 $0x0  }
0x14: {  	s2 =	sld [smem:$0x3F95];
	s0 =	simm.s32 @p1 $0x1  }
0x15: {  	[smem:$0x3FB2] =	sst s0;
	s0 =	simm.s32 @!p2 $0x0  }
0x16: {  	s3 =	sld [smem:$0x3FDB];
	s0 =	simm.s32 @p2 $0x1  }
0x17: {  	s4 =	simm.s32 $0x1BF5;
	[smem:$0x3FB4] =	sst s0  }
0x18: {  	s0 =	sld [smem:$0x3F97];
	_ =	swait.ge [sflag:s4], $0x0  }
0x19: {  	s7 =	sld [smem:$0x3F98]  }
0x1a: {  	s8 =	sadd.s32 $0xFFFFE003, lr  }
0x1b: {  	s9 =	sadd.s32 $0xFFFFFEF7, lr;
	s5 =	simm.s32 $0xFFFFFFFF;
	p2 =	slt.u32 s8, $0xFFFFF086  }
0x1c: {  	p1 =	slt.u32 s9, $0xF7A;
	s5 =	simm.s32 @!p2 $0x0  }
0x1d: {  	s5 =	simm.s32 @p1 $0x1;
	p0 =	seq.s32 s7, s2  }
0x1e: {  	s7 =	smul.u32 @!p0 $0xF7A, s2;
	p2 =	seq.s32 @!p0 s5, $0x0  }
0x1f: {  	s9 =	smul.u32 $0xF7A, s1;
	s8 =	simm.s32 @!p0 $0x1BF5;
	p2 =	por !p2, p0  }
0x20: {  	[sflag:s8] =	ssyncset.s32 @!p0 $0xFFFFF086;
	s6 =	sadd.s32 @!p0 s3, s7;
	s7 =	simm.s32 @!p0 $0x108  }
0x21: {  	s3 =	sadd.s32 s3, s9;
	s6 =	sadd.s32 @!p0 $0x88, s6;
	s7 =	simm.s32 @p2 $0x1082  }
0x22: {  	[simem:s7], [sflag:s8] =	dma.local @!p0 [hbm:s6], $0xF7A  }
0x23: {  	s9 =	sor.u32 $0xD0000000, s2;
	s6 =	simm.s32 $0x108;
	_ =	swait.ge @!p0 [sflag:s8], $0x0  }
0x24: {  	s3 =	sadd.s32 $0x88, s3;
	s6 =	simm.s32 @!p1 $0x1082;
	[sflag:s4] =	ssyncset.s32 $0xFFFFF086  }
0x25: {  	[simem:s6], [sflag:s4] =	dma.local [hbm:s3], $0xF7A  }
0x26: {  	[smem:$0x3F98] =	sst s1;
	(tag) =	ssettag s2;
	_ =	strace s9  }
0x27: {  	s1 =	sld [smem:$0x3FA8]  }
0x28: {  	s2 =	sld [smem:$0x3FA9]  }
0x29: {  	s4 =	sld [smem:$0x3FAB]  }
0x2a: {  	p0 =	seq.s32 s5, $0x0;
	s5 =	sld [smem:$0x3FAC]  }
0x2b: {  	s6 =	sld [smem:$0x3FAD]  }
0x2c: {  	s7 =	sld [smem:$0x3FAE]  }
0x2d: {  	s3 =	simm.s32 $0x108;
	s8 =	sld [smem:$0x3FAF]  }
0x2e: {  	s3 =	simm.s32 @!p0 $0x1082;
	s9 =	sld [smem:$0x3FB0]  }
0x2f: {  	lr =	sadd.s32 s0, s3;
	s0 =	sld [smem:$0x3FA7]  }
0x30: {  	s3 =	sld [smem:$0x3FAA]  }
0x31: {  	[smem:$0x3FB3] =	sst s10  }
0x32: {  	s10 =	sld [smem:$0x3FB1];
	_ =	sdelay $0x3  }
0x33: {  	p0 =	seq.s32 s10, $0x1;
	s10 =	sld [smem:$0x3FB3];
	_ =	sdelay $0x3  }
0x34: {  	[smem:$0x3FB3] =	sst s10  }
0x35: {  	s10 =	sld [smem:$0x3FB2];
	_ =	sdelay $0x3  }
0x36: {  	p1 =	seq.s32 s10, $0x1;
	s10 =	sld [smem:$0x3FB3];
	_ =	sdelay $0x3  }
0x37: {  	[smem:$0x3FB3] =	sst s10  }
0x38: {  	s10 =	sld [smem:$0x3FB4]  }
0x39: {  	_ = 	snop;
	(pc) =	sbr.ind lr, $3  }
0x3a: {  	_ = 	snop  }
0x3b: {  	_ = 	snop  }
0x3c: {  	p2 =	seq.s32 s10, $0x1;
	s10 =	sld [smem:$0x3FB3]  }
0x3d: {  	_ =	shalt  }
0x3e: {  	_ =	shalt  }
0x3f: {  	_ =	shalt  }
0x40: {  	_ =	shalt  }
0x41: {  	_ =	shalt  }
0x42: {  	_ =	shalt  }
0x43: {  	_ =	shalt  }
0x44: {  	_ =	shalt  }
0x45: {  	_ =	shalt  }
0x46: {  	_ =	shalt  }
0x47: {  	_ =	shalt  }
0x48: {  	_ =	shalt  }
0x49: {  	_ =	shalt  }
0x4a: {  	_ =	shalt  }
0x4b: {  	_ =	shalt  }
0x4c: {  	_ =	shalt  }
0x4d: {  	_ =	shalt  }
0x4e: {  	_ =	shalt  }
0x4f: {  	_ =	shalt  }
0x50: {  	_ =	shalt  }
0x51: {  	_ =	shalt  }
0x52: {  	_ =	shalt  }
0x53: {  	_ =	shalt  }
0x54: {  	_ =	shalt  }
0x55: {  	_ =	shalt  }
0x56: {  	_ =	shalt  }
0x57: {  	_ =	shalt  }
0x58: {  	_ =	shalt  }
0x59: {  	_ =	shalt  }
0x5a: {  	_ =	shalt  }
0x5b: {  	_ =	shalt  }
0x5c: {  	_ =	shalt  }
0x5d: {  	_ =	shalt  }
0x5e: {  	_ =	shalt  }
0x5f: {  	_ =	shalt  }
0x60: {  	_ =	shalt  }
0x61: {  	_ =	shalt  }
0x62: {  	_ =	shalt  }
0x63: {  	_ =	shalt  }
0x64: {  	_ =	shalt  }
0x65: {  	_ =	shalt  }
0x66: {  	_ =	shalt  }
0x67: {  	_ =	shalt  }
0x68: {  	_ =	shalt  }
0x69: {  	_ =	shalt  }
0x6a: {  	_ =	shalt  }
0x6b: {  	_ =	shalt  }
0x6c: {  	_ =	shalt  }
0x6d: {  	_ =	shalt  }
0x6e: {  	_ =	shalt  }
0x6f: {  	_ =	shalt  }
0x70: {  	_ =	shalt  }
0x71: {  	_ =	shalt  }
0x72: {  	_ =	shalt  }
0x73: {  	_ =	shalt  }
0x74: {  	_ =	shalt  }
0x75: {  	_ =	shalt  }
0x76: {  	_ =	shalt  }
0x77: {  	_ =	shalt  }
0x78: {  	_ =	shalt  }
0x79: {  	_ =	shalt  }
0x7a: {  	_ =	shalt  }
0x7b: {  	_ =	shalt  }
0x7c: {  	_ =	shalt  }
0x7d: {  	_ =	shalt  }
0x7e: {  	_ =	shalt  }
0x7f: {  	_ =	shalt  }
0x80: {  	_ =	shalt  }
0x81: {  	_ =	shalt  }
0x82: {  	_ =	shalt  }
0x83: {  	_ =	shalt  }
0x84: {  	_ =	shalt  }
0x85: {  	_ =	shalt  }
0x86: {  	_ =	shalt  }
0x87: {  	_ =	shalt  }
.Lfunc_end0:
.L_simem_size_0:
called_computation_lowered:
.L_overlay_start_0:
0x88: {  	s2 =	sld [smem:$0x3FD9]  }
0x89: {  	s3 =	sld [smem:$0x3FFE];
	_ =	sdelay $0x1  }
0x8a: {  	s1 =	srdreg.scid  }
0x8b: {  	s0 =	sand.u32 $0x1, s1  }
0x8c: {  	s17 =	sshll.u32 s0, $0xA;
	s2 =	sadd.s32 s3, s2  }
0x8d: {  	s2 =	sadd.s32 s2, s17  }
0x8e: {  	[smem:$0x3FBF] =	sst s2  }
0x8f: {  	_ = 	snop  }
0x90: {  	s2 =	sld [smem:$0x3FD0];
	(tm) =	ssettm $0x1  }
0x91: {  	s18 =	sld [smem:$0x3FFB];
	_ =	sdelay $0x3  }
0x92: {  	_ =	strace s18  }
0x93: {  	s3 =	sld [smem:$0x3FFC];
	_ =	sdelay $0x3  }
0x94: {  	_ =	strace s3  }
0x95: {  	s3 =	sld [smem:$0x3FFD];
	_ =	sdelay $0x3  }
0x96: {  	_ =	strace s3  }
0x97: {  	_ =	strace $0x8FFFFFFF  }
0x98: {  	s19 =	sld [smem:$0x3FDB];
	_ =	sdelay $0x1  }
0x99: {  	s4 =	simm.s32 $_scs_section_size  }
0x9a: {  	s5 =	simm.s32 $_size__tile_overlayer_lowered;
	s6 =	simm.s32 $_tile_overlayer_lowered  }
0x9b: {  	s22 =	simm.s32 $0x1BFF;
	s21 =	sshll.u32 s6, $0x1;
	s3 =	sadd.s32 s4, s19  }
0x9c: {  	s7 =	simm.s32 $0x0;
	s20 =	sshll.u32 s5, $0x1;
	s5 =	sadd.s32 s21, s3  }
0x9d: {  	[timem:s7], [sflag:s22] =	dma.local [hbm:s5], s20  }
0x9e: {  	_ =	swait.ge [sflag:s22], s20  }
0x9f: {  	s4 =	ssub.s32 $0x0, s20;
	[sflag:s22] =	ssyncset.done $0x0  }
0xa0: {  	[sflag:s22] =	ssyncadd.s32 s4;
	_ =	sdelay $0x1  }
0xa1: {  	s23 =	simm.s32 $0x1B8B  }
0xa2: {  	_ =	swait.ge [sflag:s23], $0x1  }
0xa3: {  	[sflag:s23] =	ssyncset.done $0x0  }
0xa4: {  	s25 =	simm.s32 $0x1B8E;
	s24 =	sld [smem:$0x3FFE];
	[sflag:s23] =	ssyncadd.s32 $0xFFFFFFFF  }
0xa5: {  	s26 =	simm.s32 $execute0_lowered;
	[smem:$0x3FD2] =	sst s25  }
0xa6: {  	s5 =	sshll.u32 s26, $0x1;
	_ =	strace $0x80000046;
	[dreg:$0x1] =	wrdreg $0xFFFFFFFF  }
0xa7: {  	s28 =	simm.s32 $_size_execute0_lowered;
	s3 =	sadd.s32 s3, s5;
	[dreg:$0x0] =	wrdreg $0x0  }
0xa8: {  	s5 =	sshll.u32 s28, $0x1;
	[dreg:$0x2] =	wrdreg s3  }
0xa9: {  	[dreg:$0x3] =	wrdreg s5  }
0xaa: {  	[dreg:$0x4] =	wrdreg $0xC0  }
0xab: {  	_ =	task [dreg:s7], $0x5FFFF  }
0xac: {  	[dreg:$0x1] =	wrdreg $0xFFFFFFFF  }
0xad: {  	[dreg:$0x0] =	wrdreg $0x60  }
0xae: {  	[dreg:$0x2] =	wrdreg s2  }
0xaf: {  	[dreg:$0x3] =	wrdreg s24  }
0xb0: {  	[dreg:$0x4] =	wrdreg $0xBA000  }
0xb1: {  	[dreg:$0x5] =	wrdreg $0x9  }
0xb2: {  	_ =	task.clear_ibuf [dreg:s7], $0x6FFFF;
	_ =	strace $0x90000046  }
0xb3: {  	s29 =	simm.s32 $0x9;
	_ =	strace $0x80000048  }
0xb4: {  	_ =	swait.ge [sflag:s29], $0x1  }
0xb5: {  	[sflag:s29] =	ssyncadd.s32 $0xFFFFFFFF  }
0xb6: {  	_ =	strace $0x90000048  }
0xb7: {  	_ =	sfence  }
0xb8: {  	s30 =	sld [smem:$0x0];
	_ =	sdelay $0x2  }
0xb9: {  	s31 =	sshll.u32 s1, $0xD;
	s1 =	sshrl.u32 s1, $0x2  }
0xba: {  	s3 =	sand.u32 $0x4000, s31;
	s1 =	sadd.s32 s1, s30  }
0xbb: {  	s0 =	sor.u32 s3, s0;
	s1 =	sshll.u32 s1, $0x11  }
0xbc: {  	s0 =	sor.u32 s1, s0  }
0xbd: {  	s0 =	sadd.s32 $0x8F2B, s0  }
0xbe: {  	[sflag:s0] =	ssyncadd.remote.s32 $0x1  }
0xbf: {  	_ =	sfence.sel $0xFFFF  }
0xc0: {  	[dreg:$0x0] =	wrdreg $0xFFFFFFFF;
	(pc) =	sbr.abs _section_cstart, $3  }
0xc1: {  	[dreg:$0x1] =	wrdreg $0xFFFFFFFF  }
0xc2: {  	_ =	task.clear_ibuf [dreg:s7], $0x2FFFF;
	_ =	strace $0x9FFFFFFF  }
0xc3: {  	(tm) =	ssettm $0x7FFFFFFF  }
tec
execute0_lowered:
.L_overlay_start_1:
0x0: {  	(tag) =	ssettag $0x1  }
0x1: {  	s1 =	rddreg [dreg:$0x0]  }
0x2: {  	s0 =	rddreg [dreg:$0x1]  }
0x3: {  	s2 =	rddreg [dreg:$0x2];
	s3 =	srdreg.scid;
	s4 =	simm.s32 $0x0  }
0x4: {  	s25 =	simm.s32 $0x480;
	s17 =	simm.s32 $0x400;
	s26 =	simm.s32 $0x500  }
0x5: {  	s29 =	simm.s32 $0x580;
	s31 =	simm.s32 $0x1;
	s16 =	simm.s32 $0x4  }
0x6: {  	s15 =	simm.s32 $0x8;
	s30 =	simm.s32 $0x300;
	s28 =	simm.s32 $0x2E00  }
0x7: {  	s10 =	sand.u32 $0x1, s3;
	s3 =	stileid.u32;
	[smem:$0x7FF] =	sst s4  }
0x8: {  	s5 =	sadd.s32 $0x8C00, s0;
	s6 =	sadd.s32 $0xC00, s0;
	s7 =	smul.u32 $0x138800, s10  }
0x9: {  	s8 =	smul.u32 $0x1400, s3;
	_ =	strace $0x80000047;
	[dreg:$0x4] =	wrdreg s25  }
0xa: {  	s9 =	ssub.s32 $0x2, s10;
	s24 =	smul.u32 $0x2710, s3;
	[dreg:$0x5] =	wrdreg s26  }
0xb: {  	s18 =	sshll.u32 s3, $0xB;
	s20 =	smul.u32 $0x5000, s3;
	[dreg:$0x6] =	wrdreg s29  }
0xc: {  	s25 =	simm.s32 $0x6;
	s26 =	simm.s32 $0x5600;
	s11 =	sshrl.u32 s9, $0x1  }
0xd: {  	s12 =	sadd.s32 s5, s18;
	s19 =	sadd.s32 s6, s18;
	s8 =	sadd.s32 s8, s7  }
0xe: {  	s7 =	sadd.s32 $0x10C00, s0;
	s9 =	ssub.s32 s9, s11;
	[dreg:$0x7] =	wrdreg s12  }
0xf: {  	[dreg:$0x9] =	wrdreg s19;
	s11 =	sor.u32 $0x10, s18;
	s21 =	sadd.s32 $0x10, s24  }
0x10: {  	s22 =	sadd.s32 $0x20, s24;
	s12 =	sshrl.u32 s20, $0x2;
	s23 =	sadd.s32 $0x30, s24  }
0x11: {  	v0 =	vlaneseq.u32;
	s14 =	sadd.s32 $0x40, s24;
	s18 =	simm.s32 $0x5;
	s19 =	simm.s32 $0x50  }
0x12: {  	v7 =	vimm.f32 $0.0e+00;
	v0 =	vmul.u32 $0x2, v0;
	s20 =	simm.s32 $0x600;
	[dreg:$0x8] =	wrdreg s24;
	s8 =	sshrl.u32 s8, $0x3  }
0x13: {  	v2 =	vmov s24;
	s13 =	sadd.s32 s5, s11;
	s11 =	sadd.s32 s6, s11;
	s9 =	smax.u32 s9, $0x1;
	v1 =	vmov s21;
	v4 =	vmov s22  }
0x14: {  	s12 =	sadd.s32 s12, s2;
	v5 =	vmov s23;
	s22 =	simm.s32 $0x5600;
	v2 =	vshll.u32 v2, $0x1;
	v6 =	vmov s14;
	[dreg:$0xa] =	wrdreg s13  }
0x15: {  	s21 =	simm.s32 $0x80;
	s23 =	simm.s32 $0x280;
	[dreg:$0xb] =	wrdreg s11;
	v3 =	vshll.u32 v1, $0x1;
	v1 =	vmov s10;
	v2 =	vor.u32 v0, v2  }
0x16: {  	s14 =	simm.s32 $0x2;
	s0 =	sadd.s32 s8, s0;
	[dreg:$0xc] =	wrdreg s9;
	v4 =	vshll.u32 v4, $0x1;
	v5 =	vshll.u32 v5, $0x1;
	v6 =	vshll.u32 v6, $0x1  }
0x17: {  	s8 =	sshll.u32 s3, $0xE;
	[dreg:$0xd] =	wrdreg s12;
	s12 =	simm.s32 $0x200;
	v3 =	vor.u32 v0, v3;
	v2 =	vor.u32 s10, v2;
	v4 =	vor.u32 v0, v4  }
0x18: {  	s9 =	simm.s32 $0x9;
	s11 =	simm.s32 $0x7;
	s0 =	sadd.s32 $0x4F2C00, s0;
	v5 =	vor.u32 v0, v5;
	v6 =	vor.u32 v0, v6;
	v3 =	vor.u32 s10, v3  }
0x19: {  	s13 =	simm.s32 $0x0;
	[dreg:$0xe] =	wrdreg s0;
	s0 =	simm.s32 $0x3;
	v4 =	vor.u32 s10, v4;
	v5 =	vor.u32 s10, v5;
	v6 =	vor.u32 s10, v6  }
.LBB2_1:
0x1a: {  	s10 =	rddreg [dreg:$0x7]  }
0x1b: {  	[tilespmem:s4], [sflag:$0x5] =	stream.linear.gather [hbm4b:s10+s4], $0x80, $0x38;
	[tilespmem:$0x1F280] =	vst v63  }
0x1c: {  	s29 =	rddreg [dreg:$0x9]  }
0x1d: {  	[tilespmem:s12], [sflag:$0x5] =	stream.linear.gather [hbm4b:s29+s4], $0x80, $0x38;
	[tilespmem:$0x1F280] =	vst v63  }
0x1e: {  	_ =	swait.ge [sflag:s18], $0x80  }
0x1f: {  	[sflag:s18] =	ssyncset.done $0x0  }
0x20: {  	[sflag:s18] =	ssyncadd.s32 $0xFFFFFF80  }
0x21: {  	_ =	swait.ge [sflag:s18], $0x80  }
0x22: {  	[sflag:s18] =	ssyncset.done $0x0  }
0x23: {  	[sflag:s18] =	ssyncadd.s32 $0xFFFFFF80  }
0x24: {  	v8 =	vld [tilespmem:$0x0]  }
0x25: {  	v9 =	vld [tilespmem:$0x10]  }
0x26: {  	v10 =	vld [tilespmem:$0x20]  }
0x27: {  	v11 =	vld [tilespmem:$0x30];
	[tilespmem:$0x400] =	vst v2  }
0x28: {  	[tilespmem:$0x410] =	vst v3  }
0x29: {  	v63 =	vld [tilespmem:$0x40];
	[tilespmem:$0x420] =	vst v4;
	v8 =	vshll.u32 v8, $0x1  }
0x2a: {  	[tilespmem:$0x430] =	vst v5;
	v9 =	vshll.u32 v9, $0x1;
	v8 =	vor.u32 v1, v8  }
0x2b: {  	v61 =	vshll.u32 v10, $0x1;
	[tilespmem:$0x0] =	vst v8;
	v8 =	vor.u32 v1, v9  }
0x2c: {  	v62 =	vshll.u32 v11, $0x1;
	[tilespmem:$0x10] =	vst v8;
	v8 =	vor.u32 v1, v61  }
0x2d: {  	[tilespmem:$0x20] =	vst v8;
	v8 =	vor.u32 v1, v62  }
0x2e: {  	[tilespmem:$0x30] =	vst v8;
	v8 =	vshll.u32 v63, $0x1  }
0x2f: {  	[tilespmem:$0x440] =	vst v6;
	v8 =	vor.u32 v1, v8  }
0x30: {  	[tilespmem:$0x40] =	vst v8  }
0x31: {  	[tilespmem:s20], [sflag:$0x1] =	stream.indirect.gather [hbm4b:s1+s19], $0x80, s4, s19, $0xb8;
	[tilespmem:$0x1F280] =	vst v63  }
0x32: {  	_ = 	snop  }
0x33: {  	[tilespmem:s22], [sflag:$0x3] =	stream.indirect.gather [hbm4b:s7+s19], $0x80, s17, s19, $0xb8;
	[tilespmem:$0x1F280] =	vst v63  }
0x34: {  	s20 =	rddreg [dreg:$0xa]  }
0x35: {  	[tilespmem:s21], [sflag:$0x6] =	stream.linear.gather [hbm4b:s20+s4], $0x80, $0x38;
	[tilespmem:$0x1F280] =	vst v63  }
0x36: {  	s22 =	rddreg [dreg:$0xb]  }
0x37: {  	[tilespmem:s23], [sflag:$0x6] =	stream.linear.gather [hbm4b:s22+s4], $0x80, $0x38;
	[tilespmem:$0x1F280] =	vst v63  }
0x38: {  	s23 =	simm.s32 $0x0  }
0x39: {  	s24 =	sand.u32 $0xFFFFFF80, s23  }
0x3a: {  	s21 =	ssub.s32 $0x0, s24  }
0x3b: {  	s10 =	sand.u32 $0x3FFFFF80, s23;
	s21 =	sand.u32 $0xFFFFFF80, s21  }
0x3c: {  	s29 =	sand.u32 $0x70, s4;
	s21 =	sadd.s32 s21, s10  }
0x3d: {  	s10 =	simm.s32 $0x1;
	s23 =	sor.u32 s29, s21;
	s21 =	simm.s32 $0x0  }
.LBB2_2:
0x3e: {  	s24 =	sshll.u32 s10, $0x4;
	p0 =	seq.s32 s10, $0x13F;
	s10 =	sadd.s32 $0x1, s10;
	[tilespmem:s23+$0xA600] =	vst v7  }
.Ltmp0:
0x3f: {  	s21 =	sadd.s32 $0x10, s21;
	s23 =	sand.u32 $0xFFFFFF80, s24;
	(pc) =	sbr.rel @!p0 .LBB2_2-.Ltmp0, $4  }
0x40: {  	s23 =	ssub.s32 s21, s23  }
0x41: {  	s24 =	sand.u32 $0x3FFFFF80, s24;
	s23 =	sand.u32 $0xFFFFFF80, s23  }
0x42: {  	s29 =	sand.u32 $0x70, s21;
	s23 =	sadd.s32 s23, s24  }
0x43: {  	s23 =	sor.u32 s29, s23  }
0x44: {  	s10 =	sadd.s32 $0x0, s3  }
0x45: {  	[dreg:$0xf] =	wrdreg s13;
	p0 =	sgt.u32 s10, $0xF9  }
0x46: {  	[tilespmem:s23+$0xA600] =	vst v7;
	s12 =	rddreg [dreg:$0xd];
	s10 =	simm.s32 @!p0 $0xA600;
	s24 =	simm.s32 @!p0 $0x9  }
0x47: {  	[spmem:s12] =	stream.linear.scatter @!p0 [tilespmem:s10], [sflag:$0x9], $0x1400, $0x38;
	[tilespmem:$0x1F280] =	vst v63  }
0x48: {  	s21 =	simm.s32 $0x10;
	_ =	swait.ge @!p0 [sflag:s24], $0x1400  }
0x49: {  	s23 =	simm.s32 $0x20;
	s10 =	sadd.s32 $0x14000, s12;
	[sflag:s24] =	ssyncset.done @!p0 $0x0  }
.LBB2_4:
0x4a: {  	s29 =	sadd.s32 s21, s3;
	s21 =	smov.u32 s23;
	s23 =	sadd.s32 $0x10, s23  }
0x4b: {  	[sflag:s24] =	ssyncadd.s32 @!p0 $0xFFFFEC00;
	p1 =	sne.s32 s23, $0x100  }
.Ltmp1:
0x4c: {  	p0 =	sgt.u32 s29, $0xF9;
	(pc) =	sbr.rel @p1 .LBB2_4-.Ltmp1, $4  }
0x4d: {  	s29 =	simm.s32 @!p0 $0xA600;
	s24 =	simm.s32 @!p0 $0x9  }
0x4e: {  	[spmem:s10] =	stream.linear.scatter @!p0 [tilespmem:s29], [sflag:$0x9], $0x1400, $0x38;
	[tilespmem:$0x1F280] =	vst v63  }
0x4f: {  	_ =	swait.ge @!p0 [sflag:s24], $0x1400  }
0x50: {  	s10 =	sadd.s32 $0x14000, s10;
	[sflag:s24] =	ssyncset.done @!p0 $0x0  }
0x51: {  	s21 =	sadd.s32 s21, s3  }
0x52: {  	p1 =	sgt.u32 s21, $0xF9  }
0x53: {  	[sflag:s24] =	ssyncadd.s32 @!p0 $0xFFFFEC00;
	s21 =	simm.s32 @!p1 $0xA600;
	s23 =	simm.s32 @!p1 $0x9  }
0x54: {  	[spmem:s10] =	stream.linear.scatter @!p1 [tilespmem:s21], [sflag:$0x9], $0x1400, $0x38;
	[tilespmem:$0x1F280] =	vst v63  }
0x55: {  	_ =	swait.ge @!p1 [sflag:s23], $0x1400  }
0x56: {  	s13 =	simm.s32 $0x380;
	[sflag:s23] =	ssyncset.done @!p1 $0x0  }
0x57: {  	s22 =	simm.s32 $0x600;
	s17 =	simm.s32 $0x7E00;
	[sflag:s23] =	ssyncadd.s32 @!p1 $0xFFFFEC00  }
0x58: {  	s21 =	simm.s32 $0x0;
	s23 =	simm.s32 $0x280;
	[bflag:$0x0] =	sbarrier.arrive $0xFFFF  }
.LBB2_6:
0x59: {  	_ =	swait.ge [sflag:s25], $0x80  }
0x5a: {  	[sflag:s25] =	ssyncset.done $0x0  }
0x5b: {  	[sflag:s25] =	ssyncadd.s32 $0xFFFFFF80  }
0x5c: {  	_ =	swait.ge [sflag:s25], $0x80  }
0x5d: {  	[sflag:s25] =	ssyncset.done $0x0  }
0x5e: {  	[sflag:s25] =	ssyncadd.s32 $0xFFFFFF80  }
0x5f: {  	v8 =	vld [tilespmem:$0x80]  }
0x60: {  	s10 =	rddreg [dreg:$0x8]  }
0x61: {  	s10 =	sadd.s32 s21, s10;
	v9 =	vld [tilespmem:$0x90]  }
0x62: {  	s24 =	sadd.s32 $0x50, s10  }
0x63: {  	v11 =	vld [tilespmem:$0xA0];
	v10 =	vmov s24  }
0x64: {  	s20 =	sadd.s32 $0x60, s10;
	v10 =	vshll.u32 v10, $0x1;
	v8 =	vshll.u32 v8, $0x1  }
0x65: {  	v13 =	vld [tilespmem:$0xB0];
	v12 =	vmov s20;
	v10 =	vor.u32 v0, v10;
	v8 =	vor.u32 v1, v8  }
0x66: {  	s29 =	sadd.s32 $0x70, s10;
	v49 =	vshll.u32 v12, $0x1;
	v9 =	vshll.u32 v9, $0x1;
	[tilespmem:$0x80] =	vst v8;
	v8 =	vor.u32 v1, v10  }
0x67: {  	v52 =	vld [tilespmem:$0xC0];
	v51 =	vmov s29;
	v50 =	vor.u32 v0, v49;
	[tilespmem:$0x480] =	vst v8;
	v8 =	vor.u32 v1, v9  }
0x68: {  	s12 =	sadd.s32 $0x80, s10;
	v53 =	vshll.u32 v11, $0x1;
	v10 =	vshll.u32 v51, $0x1;
	[tilespmem:$0x90] =	vst v8;
	v8 =	vor.u32 v1, v50  }
0x69: {  	v55 =	vmov s12;
	v54 =	vor.u32 v0, v10;
	[tilespmem:$0x490] =	vst v8;
	v8 =	vor.u32 v1, v53  }
0x6a: {  	s20 =	sadd.s32 $0x90, s10;
	v56 =	vshll.u32 v13, $0x1;
	v10 =	vshll.u32 v55, $0x1;
	[tilespmem:$0xA0] =	vst v8;
	v8 =	vor.u32 v1, v54  }
0x6b: {  	v58 =	vmov s20;
	v57 =	vor.u32 v0, v10;
	[tilespmem:$0x4A0] =	vst v8;
	v8 =	vor.u32 v1, v56  }
0x6c: {  	v59 =	vshll.u32 v52, $0x1;
	v10 =	vshll.u32 v58, $0x1;
	[tilespmem:$0xB0] =	vst v8;
	v8 =	vor.u32 v1, v57  }
0x6d: {  	v60 =	vor.u32 v0, v10;
	[tilespmem:$0x4B0] =	vst v8;
	v8 =	vor.u32 v1, v59  }
0x6e: {  	[tilespmem:$0xC0] =	vst v8;
	v8 =	vor.u32 v1, v60  }
0x6f: {  	s12 =	simm.s32 $0x80;
	[tilespmem:$0x4C0] =	vst v8  }
0x70: {  	[tilespmem:s28], [sflag:$0x2] =	stream.indirect.gather [hbm4b:s1+s19], $0x80, s12, s19, $0xb8;
	[tilespmem:$0x1F280] =	vst v63  }
0x71: {  	s29 =	rddreg [dreg:$0x4]  }
0x72: {  	[tilespmem:s17], [sflag:$0x4] =	stream.indirect.gather [hbm4b:s7+s19], $0x80, s29, s19, $0xb8;
	[tilespmem:$0x1F280] =	vst v63  }
0x73: {  	s12 =	sadd.s32 $0xFFFFFE80, s23;
	s29 =	sadd.s32 $0xFFFFFD80, s23  }
0x74: {  	s20 =	sand.u32 $0x300, s12;
	s24 =	sand.u32 $0x3C00, s29  }
0x75: {  	s12 =	sor.u32 s20, s24  }
0x76: {  	s12 =	sor.u32 s8, s12  }
0x77: {  	s12 =	sshrl.u32 s12, $0x3  }
0x78: {  	s20 =	simm.s32 $0x100;
	s29 =	sadd.s32 s5, s12  }
0x79: {  	[tilespmem:s20], [sflag:$0x7] =	stream.linear.gather [hbm4b:s29+s4], $0x80, $0x38;
	[tilespmem:$0x1F280] =	vst v63  }
0x7a: {  	s12 =	sadd.s32 s6, s12  }
0x7b: {  	[tilespmem:s30], [sflag:$0x7] =	stream.linear.gather [hbm4b:s12+s4], $0x80, $0x38;
	[tilespmem:$0x1F280] =	vst v63  }
0x7c: {  	_ =	swait.ge [sflag:s31], $0x2800  }
0x7d: {  	[sflag:s31] =	ssyncset.done $0x0  }
0x7e: {  	[sflag:s31] =	ssyncadd.s32 $0xFFFFD800  }
0x7f: {  	_ =	swait.ge [sflag:s0], $0x2800  }
0x80: {  	[sflag:s0] =	ssyncset.done $0x0  }
0x81: {  	s29 =	simm.s32 $0x200;
	[sflag:s0] =	ssyncadd.s32 $0xFFFFD800  }
0x82: {  	[spmem:s2] =	stream.indirect.scatter.add.f32 [tilespmem:s22], [sflag:$0x9], $0x80, s29, s19, $0xb8;
	[tilespmem:$0x1F280] =	vst v63  }
0x83: {  	_ =	swait.ge [sflag:s9], $0x2800  }
0x84: {  	[sflag:s9] =	ssyncset.done $0x0  }
0x85: {  	[sflag:s9] =	ssyncadd.s32 $0xFFFFD800  }
0x86: {  	[spmem:s2] =	stream.indirect.scatter.add.f32 [tilespmem:s26], [sflag:$0x9], $0x80, s29, s19, $0xb8;
	[tilespmem:$0x1F280] =	vst v63  }
0x87: {  	_ =	swait.ge [sflag:s9], $0x2800  }
0x88: {  	[sflag:s9] =	ssyncset.done $0x0  }
0x89: {  	[sflag:s9] =	ssyncadd.s32 $0xFFFFD800  }
0x8a: {  	_ =	swait.ge [sflag:s11], $0x80  }
0x8b: {  	[sflag:s11] =	ssyncset.done $0x0  }
0x8c: {  	[sflag:s11] =	ssyncadd.s32 $0xFFFFFF80  }
0x8d: {  	_ =	swait.ge [sflag:s11], $0x80  }
0x8e: {  	[sflag:s11] =	ssyncset.done $0x0  }
0x8f: {  	[sflag:s11] =	ssyncadd.s32 $0xFFFFFF80  }
0x90: {  	v8 =	vld [tilespmem:$0x100];
	_ =	sdelay $0x1  }
0x91: {  	v61 =	vld [tilespmem:$0x110]  }
0x92: {  	s12 =	sadd.s32 $0xA0, s10  }
0x93: {  	v62 =	vmov s12;
	v63 =	vld [tilespmem:$0x120]  }
0x94: {  	s12 =	sadd.s32 $0xB0, s10;
	v10 =	vshll.u32 v62, $0x1;
	v8 =	vshll.u32 v8, $0x1  }
0x95: {  	v16 =	vmov s12;
	v10 =	vor.u32 v0, v10;
	v17 =	vld [tilespmem:$0x130];
	v8 =	vor.u32 v1, v8  }
0x96: {  	s12 =	sadd.s32 $0xC0, s10;
	v18 =	vshll.u32 v16, $0x1;
	v9 =	vshll.u32 v61, $0x1;
	[tilespmem:$0x100] =	vst v8;
	v8 =	vor.u32 v1, v10  }
0x97: {  	v20 =	vmov s12;
	v19 =	vor.u32 v0, v18;
	v21 =	vld [tilespmem:$0x140];
	[tilespmem:$0x500] =	vst v8;
	v8 =	vor.u32 v1, v9  }
0x98: {  	s12 =	sadd.s32 $0xD0, s10;
	v22 =	vshll.u32 v63, $0x1;
	v10 =	vshll.u32 v20, $0x1;
	[tilespmem:$0x110] =	vst v8;
	v8 =	vor.u32 v1, v19  }
0x99: {  	v24 =	vmov s12;
	v23 =	vor.u32 v0, v10;
	[tilespmem:$0x510] =	vst v8;
	v8 =	vor.u32 v1, v22  }
0x9a: {  	s12 =	sadd.s32 $0xE0, s10;
	v25 =	vshll.u32 v17, $0x1;
	v10 =	vshll.u32 v24, $0x1;
	[tilespmem:$0x120] =	vst v8;
	v8 =	vor.u32 v1, v23  }
0x9b: {  	v27 =	vmov s12;
	v26 =	vor.u32 v0, v10;
	[tilespmem:$0x520] =	vst v8;
	v8 =	vor.u32 v1, v25  }
0x9c: {  	v28 =	vshll.u32 v21, $0x1;
	v10 =	vshll.u32 v27, $0x1;
	[tilespmem:$0x130] =	vst v8;
	v8 =	vor.u32 v1, v26  }
0x9d: {  	v29 =	vor.u32 v0, v10;
	[tilespmem:$0x530] =	vst v8;
	v8 =	vor.u32 v1, v28  }
0x9e: {  	[tilespmem:$0x140] =	vst v8;
	v8 =	vor.u32 v1, v29  }
0x9f: {  	[tilespmem:$0x540] =	vst v8  }
0xa0: {  	[tilespmem:s22], [sflag:$0x1] =	stream.indirect.gather [hbm4b:s1+s19], $0x80, s20, s19, $0xb8;
	[tilespmem:$0x1F280] =	vst v63  }
0xa1: {  	s12 =	rddreg [dreg:$0x5];
	s20 =	sadd.s32 $0xFFFFFF00, s23  }
0xa2: {  	[tilespmem:s26], [sflag:$0x3] =	stream.indirect.gather [hbm4b:s7+s19], $0x80, s12, s19, $0xb8;
	[tilespmem:$0x1F280] =	vst v63  }
0xa3: {  	s12 =	sand.u32 $0x380, s20  }
0xa4: {  	s12 =	sor.u32 s12, s24  }
0xa5: {  	s12 =	sor.u32 s8, s12  }
0xa6: {  	s12 =	sshrl.u32 s12, $0x3  }
0xa7: {  	s20 =	simm.s32 $0x180;
	s24 =	sadd.s32 s5, s12  }
0xa8: {  	[tilespmem:s20], [sflag:$0x8] =	stream.linear.gather [hbm4b:s24+s4], $0x80, $0x38;
	[tilespmem:$0x1F280] =	vst v63  }
0xa9: {  	s12 =	sadd.s32 s6, s12  }
0xaa: {  	[tilespmem:s13], [sflag:$0x8] =	stream.linear.gather [hbm4b:s12+s4], $0x80, $0x38;
	[tilespmem:$0x1F280] =	vst v63  }
0xab: {  	_ =	swait.ge [sflag:s14], $0x2800  }
0xac: {  	[sflag:s14] =	ssyncset.done $0x0  }
0xad: {  	[sflag:s14] =	ssyncadd.s32 $0xFFFFD800  }
0xae: {  	_ =	swait.ge [sflag:s16], $0x2800  }
0xaf: {  	[sflag:s16] =	ssyncset.done $0x0  }
0xb0: {  	s24 =	simm.s32 $0x280;
	[sflag:s16] =	ssyncadd.s32 $0xFFFFD800  }
0xb1: {  	[spmem:s2] =	stream.indirect.scatter.add.f32 [tilespmem:s28], [sflag:$0x9], $0x80, s24, s19, $0xb8;
	[tilespmem:$0x1F280] =	vst v63  }
0xb2: {  	_ =	swait.ge [sflag:s9], $0x2800  }
0xb3: {  	[sflag:s9] =	ssyncset.done $0x0  }
0xb4: {  	[sflag:s9] =	ssyncadd.s32 $0xFFFFD800  }
0xb5: {  	[spmem:s2] =	stream.indirect.scatter.add.f32 [tilespmem:s17], [sflag:$0x9], $0x80, s24, s19, $0xb8;
	[tilespmem:$0x1F280] =	vst v63  }
0xb6: {  	_ =	swait.ge [sflag:s9], $0x2800  }
0xb7: {  	[sflag:s9] =	ssyncset.done $0x0  }
0xb8: {  	[sflag:s9] =	ssyncadd.s32 $0xFFFFD800  }
0xb9: {  	_ =	swait.ge [sflag:s15], $0x80  }
0xba: {  	[sflag:s15] =	ssyncset.done $0x0  }
0xbb: {  	[sflag:s15] =	ssyncadd.s32 $0xFFFFFF80  }
0xbc: {  	_ =	swait.ge [sflag:s15], $0x80  }
0xbd: {  	[sflag:s15] =	ssyncset.done $0x0  }
0xbe: {  	[sflag:s15] =	ssyncadd.s32 $0xFFFFFF80  }
0xbf: {  	v8 =	vld [tilespmem:$0x180];
	_ =	sdelay $0x1  }
0xc0: {  	v30 =	vld [tilespmem:$0x190]  }
0xc1: {  	s24 =	sadd.s32 $0xF0, s10  }
0xc2: {  	v31 =	vmov s24;
	v32 =	vld [tilespmem:$0x1A0]  }
0xc3: {  	s24 =	sadd.s32 $0x100, s10;
	v10 =	vshll.u32 v31, $0x1;
	v8 =	vshll.u32 v8, $0x1  }
0xc4: {  	v33 =	vmov s24;
	v10 =	vor.u32 v0, v10;
	v34 =	vld [tilespmem:$0x1B0];
	v8 =	vor.u32 v1, v8  }
0xc5: {  	s24 =	sadd.s32 $0x110, s10;
	v35 =	vshll.u32 v33, $0x1;
	v9 =	vshll.u32 v30, $0x1;
	[tilespmem:$0x180] =	vst v8;
	v8 =	vor.u32 v1, v10  }
0xc6: {  	v37 =	vmov s24;
	v36 =	vor.u32 v0, v35;
	v38 =	vld [tilespmem:$0x1C0];
	[tilespmem:$0x580] =	vst v8;
	v8 =	vor.u32 v1, v9  }
0xc7: {  	s24 =	sadd.s32 $0x120, s10;
	v39 =	vshll.u32 v32, $0x1;
	v10 =	vshll.u32 v37, $0x1;
	[tilespmem:$0x190] =	vst v8;
	v8 =	vor.u32 v1, v36  }
0xc8: {  	v41 =	vmov s24;
	v40 =	vor.u32 v0, v10;
	[tilespmem:$0x590] =	vst v8;
	v8 =	vor.u32 v1, v39  }
0xc9: {  	s24 =	sadd.s32 $0x130, s10;
	v42 =	vshll.u32 v34, $0x1;
	v10 =	vshll.u32 v41, $0x1;
	[tilespmem:$0x1A0] =	vst v8;
	v8 =	vor.u32 v1, v40  }
0xca: {  	v44 =	vmov s24;
	v43 =	vor.u32 v0, v10;
	[tilespmem:$0x5A0] =	vst v8;
	v8 =	vor.u32 v1, v42  }
0xcb: {  	v45 =	vshll.u32 v38, $0x1;
	v10 =	vshll.u32 v44, $0x1;
	[tilespmem:$0x1B0] =	vst v8;
	v8 =	vor.u32 v1, v43  }
0xcc: {  	v46 =	vor.u32 v0, v10;
	[tilespmem:$0x5B0] =	vst v8;
	v8 =	vor.u32 v1, v45  }
0xcd: {  	[tilespmem:$0x1C0] =	vst v8;
	v8 =	vor.u32 v1, v46  }
0xce: {  	s12 =	sadd.s32 $0xFFFFFF80, s23;
	[tilespmem:$0x5C0] =	vst v8  }
0xcf: {  	[tilespmem:s28], [sflag:$0x2] =	stream.indirect.gather [hbm4b:s1+s19], $0x80, s20, s19, $0xb8;
	[tilespmem:$0x1F280] =	vst v63  }
0xd0: {  	s24 =	rddreg [dreg:$0x6];
	s20 =	sand.u32 $0x7C00, s12  }
0xd1: {  	[tilespmem:s17], [sflag:$0x4] =	stream.indirect.gather [hbm4b:s7+s19], $0x80, s24, s19, $0xb8;
	[tilespmem:$0x1F280] =	vst v63  }
0xd2: {  	s12 =	sand.u32 $0x200, s12;
	s24 =	sadd.s32 s8, s20  }
0xd3: {  	s12 =	sor.u32 s12, s24  }
0xd4: {  	s12 =	sshrl.u32 s12, $0x3  }
0xd5: {  	s20 =	sadd.s32 s5, s12  }
0xd6: {  	[tilespmem:s4], [sflag:$0x5] =	stream.linear.gather [hbm4b:s20+s4], $0x80, $0x38;
	[tilespmem:$0x1F280] =	vst v63  }
0xd7: {  	s12 =	sadd.s32 s6, s12  }
0xd8: {  	[tilespmem:s29], [sflag:$0x5] =	stream.linear.gather [hbm4b:s12+s4], $0x80, $0x38;
	[tilespmem:$0x1F280] =	vst v63  }
0xd9: {  	_ =	swait.ge [sflag:s31], $0x2800  }
0xda: {  	[sflag:s31] =	ssyncset.done $0x0  }
0xdb: {  	[sflag:s31] =	ssyncadd.s32 $0xFFFFD800  }
0xdc: {  	_ =	swait.ge [sflag:s0], $0x2800  }
0xdd: {  	[sflag:s0] =	ssyncset.done $0x0  }
0xde: {  	[sflag:s0] =	ssyncadd.s32 $0xFFFFD800  }
0xdf: {  	[spmem:s2] =	stream.indirect.scatter.add.f32 [tilespmem:s22], [sflag:$0x9], $0x80, s30, s19, $0xb8;
	[tilespmem:$0x1F280] =	vst v63  }
0xe0: {  	_ =	swait.ge [sflag:s9], $0x2800  }
0xe1: {  	[sflag:s9] =	ssyncset.done $0x0  }
0xe2: {  	[sflag:s9] =	ssyncadd.s32 $0xFFFFD800  }
0xe3: {  	[spmem:s2] =	stream.indirect.scatter.add.f32 [tilespmem:s26], [sflag:$0x9], $0x80, s30, s19, $0xb8;
	[tilespmem:$0x1F280] =	vst v63  }
0xe4: {  	_ =	swait.ge [sflag:s9], $0x2800  }
0xe5: {  	[sflag:s9] =	ssyncset.done $0x0  }
0xe6: {  	[sflag:s9] =	ssyncadd.s32 $0xFFFFD800  }
0xe7: {  	_ =	swait.ge [sflag:s18], $0x80  }
0xe8: {  	[sflag:s18] =	ssyncset.done $0x0  }
0xe9: {  	[sflag:s18] =	ssyncadd.s32 $0xFFFFFF80  }
0xea: {  	_ =	swait.ge [sflag:s18], $0x80  }
0xeb: {  	[sflag:s18] =	ssyncset.done $0x0  }
0xec: {  	[sflag:s18] =	ssyncadd.s32 $0xFFFFFF80  }
0xed: {  	v8 =	vld [tilespmem:$0x0];
	_ =	sdelay $0x1  }
0xee: {  	v47 =	vld [tilespmem:$0x10]  }
0xef: {  	s24 =	sadd.s32 $0x140, s10  }
0xf0: {  	v48 =	vmov s24;
	v49 =	vld [tilespmem:$0x20]  }
0xf1: {  	v10 =	vshll.u32 v48, $0x1;
	s29 =	sadd.s32 $0x150, s10;
	v8 =	vshll.u32 v8, $0x1  }
0xf2: {  	v10 =	vor.u32 v0, v10;
	v50 =	vmov s29;
	v51 =	vld [tilespmem:$0x30];
	v8 =	vor.u32 v1, v8  }
0xf3: {  	s20 =	sadd.s32 $0x160, s10;
	v52 =	vshll.u32 v50, $0x1;
	v9 =	vshll.u32 v47, $0x1;
	[tilespmem:$0x0] =	vst v8;
	v8 =	vor.u32 v1, v10  }
0xf4: {  	v54 =	vmov s20;
	v53 =	vor.u32 v0, v52;
	v55 =	vld [tilespmem:$0x40];
	[tilespmem:$0x400] =	vst v8;
	v8 =	vor.u32 v1, v9  }
0xf5: {  	s24 =	sadd.s32 $0x170, s10;
	v56 =	vshll.u32 v49, $0x1;
	v10 =	vshll.u32 v54, $0x1;
	[tilespmem:$0x10] =	vst v8;
	v8 =	vor.u32 v1, v53  }
0xf6: {  	v58 =	vmov s24;
	v57 =	vor.u32 v0, v10;
	[tilespmem:$0x410] =	vst v8;
	v8 =	vor.u32 v1, v56  }
0xf7: {  	s10 =	sadd.s32 $0x180, s10;
	v59 =	vshll.u32 v51, $0x1;
	v10 =	vshll.u32 v58, $0x1;
	[tilespmem:$0x20] =	vst v8;
	v8 =	vor.u32 v1, v57  }
0xf8: {  	v61 =	vmov s10;
	v60 =	vor.u32 v0, v10;
	[tilespmem:$0x420] =	vst v8;
	v8 =	vor.u32 v1, v59  }
0xf9: {  	p0 =	seq.s32 s21, $0x2580;
	v62 =	vshll.u32 v55, $0x1;
	v10 =	vshll.u32 v61, $0x1;
	[tilespmem:$0x30] =	vst v8;
	v8 =	vor.u32 v1, v60  }
0xfa: {  	s10 =	sand.u32 @!p0 $0x7C00, s23;
	v63 =	vor.u32 v0, v10;
	[tilespmem:$0x430] =	vst v8;
	v8 =	vor.u32 v1, v62  }
0xfb: {  	s12 =	sand.u32 @!p0 $0x280, s23;
	s10 =	sadd.s32 @!p0 s8, s10;
	[tilespmem:$0x40] =	vst v8;
	v8 =	vor.u32 v1, v63  }
0xfc: {  	s10 =	sor.u32 @!p0 s12, s10;
	[tilespmem:$0x440] =	vst v8  }
0xfd: {  	[tilespmem:s22], [sflag:$0x1] =	stream.indirect.gather [hbm4b:s1+s19], $0x80, s4, s19, $0xb8;
	[tilespmem:$0x1F280] =	vst v63  }
0xfe: {  	s29 =	simm.s32 $0x400;
	s10 =	sshrl.u32 @!p0 s10, $0x3  }
0xff: {  	[tilespmem:s26], [sflag:$0x3] =	stream.indirect.gather [hbm4b:s7+s19], $0x80, s29, s19, $0xb8;
	[tilespmem:$0x1F280] =	vst v63  }
0x100: {  	s24 =	simm.s32 @!p0 $0x0;
	s12 =	sadd.s32 @!p0 s5, s10;
	s29 =	simm.s32 @!p0 $0x80  }
0x101: {  	[tilespmem:s29], [sflag:$0x6] =	stream.linear.gather @!p0 [hbm4b:s12+s24], $0x80, $0x38;
	[tilespmem:$0x1F280] =	vst v63  }
0x102: {  	s10 =	sadd.s32 @!p0 s6, s10;
	s12 =	simm.s32 @!p0 $0x280  }
0x103: {  	[tilespmem:s12], [sflag:$0x6] =	stream.linear.gather @!p0 [hbm4b:s10+s24], $0x80, $0x38;
	[tilespmem:$0x1F280] =	vst v63  }
0x104: {  	_ =	swait.ge [sflag:s14], $0x2800  }
0x105: {  	[sflag:s14] =	ssyncset.done $0x0  }
0x106: {  	[sflag:s14] =	ssyncadd.s32 $0xFFFFD800  }
0x107: {  	_ =	swait.ge [sflag:s16], $0x2800  }
0x108: {  	[sflag:s16] =	ssyncset.done $0x0  }
0x109: {  	[sflag:s16] =	ssyncadd.s32 $0xFFFFD800  }
0x10a: {  	[spmem:s2] =	stream.indirect.scatter.add.f32 [tilespmem:s28], [sflag:$0x9], $0x80, s13, s19, $0xb8;
	[tilespmem:$0x1F280] =	vst v63  }
0x10b: {  	s21 =	sadd.s32 $0x140, s21;
	_ =	swait.ge [sflag:s9], $0x2800  }
0x10c: {  	p0 =	sne.s32 s21, $0x26C0;
	[sflag:s9] =	ssyncset.done $0x0  }
.Ltmp2:
0x10d: {  	[sflag:s9] =	ssyncadd.s32 $0xFFFFD800;
	(pc) =	sbr.rel @p0 .LBB2_6-.Ltmp2, $4  }
0x10e: {  	[spmem:s2] =	stream.indirect.scatter.add.f32 [tilespmem:s17], [sflag:$0x9], $0x80, s13, s19, $0xb8;
	[tilespmem:$0x1F280] =	vst v63  }
0x10f: {  	_ =	swait.ge [sflag:s9], $0x2800  }
0x110: {  	[sflag:s9] =	ssyncset.done $0x0  }
0x111: {  	s23 =	sadd.s32 $0x200, s23;
	[sflag:s9] =	ssyncadd.s32 $0xFFFFD800  }
0x112: {  	_ =	swait.ge [sflag:s31], $0x2800  }
0x113: {  	[sflag:s31] =	ssyncset.done $0x0  }
0x114: {  	[sflag:s31] =	ssyncadd.s32 $0xFFFFD800  }
0x115: {  	_ =	swait.ge [sflag:s0], $0x2800  }
0x116: {  	[sflag:s0] =	ssyncset.done $0x0  }
0x117: {  	s10 =	simm.s32 $0x200;
	[sflag:s0] =	ssyncadd.s32 $0xFFFFD800  }
0x118: {  	[spmem:s2] =	stream.indirect.scatter.add.f32 [tilespmem:s22], [sflag:$0x9], $0x80, s10, s19, $0xb8;
	[tilespmem:$0x1F280] =	vst v63  }
0x119: {  	_ =	swait.ge [sflag:s9], $0x2800  }
0x11a: {  	[sflag:s9] =	ssyncset.done $0x0  }
0x11b: {  	[sflag:s9] =	ssyncadd.s32 $0xFFFFD800  }
0x11c: {  	[spmem:s2] =	stream.indirect.scatter.add.f32 [tilespmem:s26], [sflag:$0x9], $0x80, s10, s19, $0xb8;
	[tilespmem:$0x1F280] =	vst v63  }
0x11d: {  	_ =	swait.ge [sflag:s9], $0x2800  }
0x11e: {  	s24 =	sadd.s32 $0x0, s3;
	[sflag:s9] =	ssyncset.done $0x0  }
0x11f: {  	p0 =	sgt.u32 s24, $0xF9;
	[sflag:s9] =	ssyncadd.s32 $0xFFFFD800  }
0x120: {  	s12 =	simm.s32 @!p0 $0xA;
	[bflag:$0x0] =	sbarrier.arrive $0xFFFF  }
0x121: {  	s10 =	simm.s32 @!p0 $0xA600;
	p0 =	por p0, p0;
	s17 =	rddreg [dreg:$0xd]  }
0x122: {  	[tilespmem:s10], [sflag:$0xA] =	stream.linear.gather @!p0 [spmem:s17], $0x1400, $0x38;
	[tilespmem:$0x1F280] =	vst v63  }
0x123: {  	s21 =	simm.s32 $0x20;
	s29 =	sadd.s32 $0x10, s3;
	_ =	swait.ge @!p0 [sflag:s12], $0x1400  }
0x124: {  	s20 =	simm.s32 $0x600;
	s24 =	simm.s32 @!p0 $0x9;
	[sflag:s12] =	ssyncset.done @!p0 $0x0  }
0x125: {  	s23 =	rddreg [dreg:$0xe];
	[sflag:s12] =	ssyncadd.s32 @!p0 $0xFFFFEC00;
	s12 =	simm.s32 @!p0 $0x0  }
0x126: {  	[hbm4b:s23+s12] =	stream.linear.scatter @!p0 [tilespmem:s10], [sflag:$0x9], $0x1400, $0x38;
	[tilespmem:$0x1F280] =	vst v63  }
0x127: {  	p1 =	sgt.u32 s29, $0xF9;
	s22 =	simm.s32 $0x5600;
	_ =	swait.ge @!p0 [sflag:s24], $0x1400  }
0x128: {  	s10 =	sadd.s32 $0x2800, s23;
	s23 =	sadd.s32 $0x14000, s17;
	[sflag:s24] =	ssyncset.done @!p0 $0x0  }
.LBB2_8:
0x129: {  	s12 =	simm.s32 @!p1 $0xA600;
	s29 =	simm.s32 @!p1 $0xA;
	[sflag:s24] =	ssyncadd.s32 @!p0 $0xFFFFEC00  }
0x12a: {  	s17 =	smov.u32 s21;
	p0 =	por p1, p1;
	s21 =	sadd.s32 $0x10, s21  }
0x12b: {  	[tilespmem:s12], [sflag:$0xA] =	stream.linear.gather @!p0 [spmem:s23], $0x1400, $0x38;
	[tilespmem:$0x1F280] =	vst v63  }
0x12c: {  	p2 =	sne.s32 s21, $0x100;
	_ =	swait.ge @!p0 [sflag:s29], $0x1400  }
.Ltmp3:
0x12d: {  	[sflag:s29] =	ssyncset.done @!p0 $0x0;
	(pc) =	sbr.rel @p2 .LBB2_8-.Ltmp3, $4  }
0x12e: {  	s24 =	simm.s32 @!p0 $0x9;
	[sflag:s29] =	ssyncadd.s32 @!p0 $0xFFFFEC00;
	s29 =	simm.s32 @!p0 $0x0  }
0x12f: {  	[hbm4b:s10+s29] =	stream.linear.scatter @!p0 [tilespmem:s12], [sflag:$0x9], $0x1400, $0x38;
	[tilespmem:$0x1F280] =	vst v63  }
0x130: {  	s12 =	sadd.s32 s17, s3;
	s10 =	sadd.s32 $0x2800, s10;
	_ =	swait.ge @!p0 [sflag:s24], $0x1400  }
0x131: {  	s23 =	sadd.s32 $0x14000, s23;
	p1 =	sgt.u32 s12, $0xF9;
	[sflag:s24] =	ssyncset.done @!p0 $0x0  }
0x132: {  	s12 =	simm.s32 @!p1 $0xA600  }
0x133: {  	s17 =	simm.s32 @!p1 $0xA;
	[sflag:s24] =	ssyncadd.s32 @!p0 $0xFFFFEC00;
	p0 =	por p1, p1  }
0x134: {  	[tilespmem:s12], [sflag:$0xA] =	stream.linear.gather @!p0 [spmem:s23], $0x1400, $0x38;
	[tilespmem:$0x1F280] =	vst v63  }
0x135: {  	_ =	swait.ge @!p0 [sflag:s17], $0x1400  }
0x136: {  	[sflag:s17] =	ssyncset.done @!p0 $0x0  }
0x137: {  	s21 =	simm.s32 @!p0 $0x9;
	[sflag:s17] =	ssyncadd.s32 @!p0 $0xFFFFEC00;
	s17 =	simm.s32 @!p0 $0x0  }
0x138: {  	[hbm4b:s10+s17] =	stream.linear.scatter @!p0 [tilespmem:s12], [sflag:$0x9], $0x1400, $0x38;
	[tilespmem:$0x1F280] =	vst v63  }
0x139: {  	_ =	swait.ge @!p0 [sflag:s21], $0x1400  }
0x13a: {  	s13 =	rddreg [dreg:$0xf]  }
0x13b: {  	s29 =	rddreg [dreg:$0xc];
	s13 =	sadd.s32 $0x1, s13  }
0x13c: {  	p1 =	sne.s32 s13, s29  }
.Ltmp4:
0x13d: {  	_ = 	snop;
	(pc) =	sbr.rel @p1 .LBB2_1-.Ltmp4, $3  }
0x13e: {  	_ =	sdelay $0x1  }
0x13f: {  	s23 =	simm.s32 $0x280;
	s12 =	simm.s32 $0x200;
	[sflag:s21] =	ssyncset.done @!p0 $0x0  }
0x140: {  	s17 =	simm.s32 $0x400;
	[sflag:s21] =	ssyncadd.s32 @!p0 $0xFFFFEC00;
	s21 =	simm.s32 $0x80  }
0x141: {  	_ =	sfence.sel $0x180000  }
0x142: {  	[bflag:$0x0] =	sbarrier.arrive $0xFFFF  }
0x143: {  	_ =	strace $0x90000047  }
0x144: {  	[bflag:$0x2] =	sbarrier.arrive $0xFFFF  }
0x145: {  	p0 =	sne.s32 s3, $0x0;
	s0 =	rddreg [dreg:$0x3]  }
0x146: {  	s0 =	sadd.s32 @!p0 $0x100000, s0  }
0x147: {  	[sflag:s0] =	ssyncadd.tile.s32 @!p0 $0x1;
	_ =	shalt  }
.Lfunc_end2:
_tile_overlayer_lowered:
.L_overlay_start_2:
0x148: {  	(tag) =	ssettag $0x2  }
0x149: {  	s0 =	rddreg [dreg:$0x0];
	s2 =	stileid.u32  }
0x14a: {  	s1 =	rddreg [dreg:$0x1];
	p0 =	sne.s32 s2, $0x0  }
0x14b: {  	s3 =	rddreg [dreg:$0x2];
	[bflag:$0x3] =	sbarrier.arrive $0xFFFF;
	s2 =	simm.s32 @!p0 $0x1C09  }
0x14c: {  	[timem:s3], [sflag:s2] =	dma.local @!p0 [hbm:s0], s1  }
0x14d: {  	s0 =	simm.s32 @!p0 $0x9  }
0x14e: {  	_ =	swait.ge @!p0 [sflag:s0], s1  }
0x14f: {  	s1 =	ssub.s32 @!p0 $0x0, s1;
	[sflag:s0] =	ssyncset.done @!p0 $0x0  }
0x150: {  	[sflag:s0] =	ssyncadd.s32 @!p0 s1  }
0x151: {  	[bflag:$0x3] =	sbarrier.arrive $0xFFFF  }
0x152: {  	_ =	shalt  }

</sc_bundles>
